<compile_context>
chip_gen: v7x
topology: tpu7x:2x2x1
jax: 0.10.2.dev20260603
libtpu: 0.0.44.dev20260713+nightly
codegen_flags: <defaults>
</compile_context>

<pallas_src>
import functools

import jax
import jax.numpy as jnp
import numpy as np
from jax import lax
from jax.experimental import pallas as pl
from jax.experimental.pallas import tpu as pltpu
from jax.experimental.pallas import tpu_sc as plsc

_F_SAMPLE = 250.0
_FREQ = 0.5
_AMPLITUDE = 0.05
_BLOCK_ROWS = 1024
_BLOCK_COLS = 2048
_N_SEL = 64
_NC = 2
_NS = 16


def _osc_vec_kernel(phase_ref, osc_ref):
    t_len = osc_ref.shape[1]
    col = jax.lax.broadcasted_iota(jnp.int32, (1, t_len), 1).astype(jnp.float32)
    step = (t_len / _F_SAMPLE) / (t_len - 1)
    osc_ref[...] = _AMPLITUDE * jnp.sin(
        (2.0 * np.pi * _FREQ * step) * col + phase_ref[0]
    )


def _copy_kernel(data_ref, out_ref):
    out_ref[...] = data_ref[...]


def _merge_kernel(sel_ref, upd_ref, cpy_ref, out_ref, sem):
    del cpy_ref
    copies = []
    for i in range(_N_SEL):
        cp = pltpu.make_async_copy(
            upd_ref.at[pl.ds(i, 1), :],
            out_ref.at[pl.ds(sel_ref[i], 1), :],
            sem,
        )
        cp.start()
        copies.append(cp)
    for cp in copies:
        cp.wait()


def _sc_update(data_hbm, sel_hbm, osc_hbm, out_hbm, idx_v, osc_v, rows_v):
    w = lax.axis_index("s") * _NC + lax.axis_index("c")
    pltpu.sync_copy(sel_hbm, idx_v)
    pltpu.sync_copy(osc_hbm, osc_v)
    iota = lax.broadcasted_iota(jnp.int32, (16,), 0)
    p0 = 2 * w
    p1 = p0 + 1
    r0 = jnp.int32(-1)
    r1 = jnp.int32(-1)
    for c in range(_N_SEL // 16):
        vec = idx_v[pl.ds(16 * c, 16)]
        pos = 16 * c + iota
        r0 = jnp.maximum(r0, jnp.max(jnp.where(pos == p0, vec, -1)))
        r1 = jnp.maximum(r1, jnp.max(jnp.where(pos == p1, vec, -1)))
    pltpu.sync_copy(data_hbm.at[r0], rows_v.at[0])
    pltpu.sync_copy(data_hbm.at[r1], rows_v.at[1])

    def body(i, carry):
        s = pl.ds(i * 16, 16)
        rows_v[0, s] = rows_v[0, s] + osc_v[s]
        rows_v[1, s] = rows_v[1, s] + osc_v[s]
        return carry

    lax.fori_loop(0, rows_v.shape[1] // 16, body, 0)
    pltpu.sync_copy(rows_v.at[0], out_hbm.at[p0])
    pltpu.sync_copy(rows_v.at[1], out_hbm.at[p1])


def kernel(data, selection, phase):
    n_ts, t_len = data.shape
    sel = selection.astype(jnp.int32)
    phase_arr = jnp.reshape(phase, (1,)).astype(jnp.float32)

    osc = pl.pallas_call(
        _osc_vec_kernel,
        in_specs=[pl.BlockSpec(memory_space=pltpu.SMEM)],
        out_specs=pl.BlockSpec((1, t_len), lambda: (0, 0)),
        out_shape=jax.ShapeDtypeStruct((1, t_len), jnp.float32),
    )(phase_arr).reshape(t_len)

    sc_update = functools.partial(
        pl.kernel,
        out_type=jax.ShapeDtypeStruct((_N_SEL, t_len), jnp.float32),
        mesh=plsc.VectorSubcoreMesh(core_axis_name="c", subcore_axis_name="s"),
        scratch_types=[
            pltpu.VMEM((_N_SEL,), jnp.int32),
            pltpu.VMEM((t_len,), jnp.float32),
            pltpu.VMEM((2, t_len), jnp.float32),
        ],
        compiler_params=pltpu.CompilerParams(needs_layout_passes=False),
    )(_sc_update)
    upd = sc_update(data, sel, osc)

    cpy = pl.pallas_call(
        _copy_kernel,
        grid=(n_ts // _BLOCK_ROWS, t_len // _BLOCK_COLS),
        in_specs=[
            pl.BlockSpec((_BLOCK_ROWS, _BLOCK_COLS), lambda i, j: (i, j)),
        ],
        out_specs=pl.BlockSpec((_BLOCK_ROWS, _BLOCK_COLS), lambda i, j: (i, j)),
        out_shape=jax.ShapeDtypeStruct((n_ts, t_len), jnp.float32),
        compiler_params=pltpu.CompilerParams(
            dimension_semantics=("arbitrary", "arbitrary"),
        ),
    )(data)

    out = pl.pallas_call(
        _merge_kernel,
        in_specs=[
            pl.BlockSpec(memory_space=pltpu.SMEM),
            pl.BlockSpec(memory_space=pltpu.VMEM),
            pl.BlockSpec(memory_space=pl.ANY),
        ],
        out_specs=pl.BlockSpec(memory_space=pl.ANY),
        out_shape=jax.ShapeDtypeStruct((n_ts, t_len), jnp.float32),
        input_output_aliases={2: 0},
        scratch_shapes=[pltpu.SemaphoreType.DMA],
    )(sel, upd, cpy)
    return out

# --- scband reference (transcript-rebuilt; emitter-appended) ---
"""Pipeline reference for scband-random-oscillation-1803886265690 (READ-ONLY COPY).

The authoritative reference and input builder live on the scoring server;
editing this copy changes nothing except your own understanding.
"""

import jax, jax.numpy as jnp
import numpy as np

P = 1.0
FREQ = 0.5
LP = 0.1
HP = 2.0 * np.pi
AMPLITUDE = 0.05
F_SAMPLE = 250
F = 64
N_TS = 16384
T_LEN = 4096


def setup_inputs(seed: int = 0) -> dict:
    key = jax.random.key(seed)
    k_data, k_sel = jax.random.split(key)
    data = jax.random.normal(k_data, (N_TS, T_LEN), dtype=jnp.float32)
    # np.random.choice(n_ts, f, replace=False) made deterministic
    rng = np.random.default_rng(0)
    selection = jnp.asarray(rng.choice(N_TS, size=F, replace=False), dtype=jnp.int64)
    # phase = (hp - lp) * random_sample() + lp, deterministic draw
    phase = jnp.float32((HP - LP) * float(rng.random()) + LP)
    return {"data": data, "selection": selection, "phase": phase}


def reference(data, selection, phase):
    # torch.rand(1) < p branch is taken deterministically (p=1.0)
    n_cols = data.shape[1]
    t = jnp.linspace(0.0, n_cols / F_SAMPLE, n_cols)
    oscillation = AMPLITUDE * jnp.sin(2.0 * jnp.pi * FREQ * t + phase)
    data_to_add = data[selection, :]
    oscillating_data = oscillation + data_to_add
    out = data.at[selection, :].set(oscillating_data.astype(jnp.float32))
    return out

if __name__ == "__main__":
    import jax
    _d = setup_inputs()
    print(jax.jit(kernel)(*tuple(_d.values())))

</pallas_src>

<mosaic_0001>
#map = affine_map<(d0, d1) -> (0, 0)>
#map1 = affine_map<(d0, d1) -> (0)>
module attributes {stable_mosaic.version = 14 : i64} {
  func.func @_sc_update(%arg0: i32, %arg1: i32, %arg2: memref<16384x4096xf32, #tpu.memory_space<hbm>>, %arg3: memref<64xi32, #tpu.memory_space<hbm>>, %arg4: memref<4096xf32, #tpu.memory_space<hbm>>, %arg5: memref<64x4096xf32, #tpu.memory_space<hbm>>, %arg6: memref<64xi32, #tpu.memory_space<vmem>>, %arg7: memref<4096xf32, #tpu.memory_space<vmem>>, %arg8: memref<2x4096xf32, #tpu.memory_space<vmem>>) attributes {dimension_semantics = [#tpu.dimension_semantics<core_parallel>, #tpu.dimension_semantics<subcore_parallel>], iteration_bounds = array<i64: 2, 16>, scalar_prefetch = 0 : i64, scratch_operands = 3 : i64, tpu.core_type = #tpu.core_type<sc_vector_subcore>, window_params = [{transform_indices = #map}, {transform_indices = #map1}, {transform_indices = #map1}, {transform_indices = #map}]} {
    %mul3A = arith.constant 2 : i32
    %mul3A_0 = arith.muli %arg1, %mul3A : i32
    %add3A = arith.addi %mul3A_0, %arg0 : i32
    "tpu.region"() ({
      %run_scoped3A_140 = tpu.sem_alloc : memref<!tpu.dma_semaphore, #tpu.memory_space<semaphore_mem>>
      tpu.enqueue_dma source(%arg3 : memref<64xi32, #tpu.memory_space<hbm>>) target(%arg6 : memref<64xi32, #tpu.memory_space<vmem>>) target_semaphore(%run_scoped3A_140 : memref<!tpu.dma_semaphore, #tpu.memory_space<semaphore_mem>>)
      tpu.wait_dma2 semaphore(%run_scoped3A_140 : memref<!tpu.dma_semaphore, #tpu.memory_space<semaphore_mem>>) src(%arg3 : memref<64xi32, #tpu.memory_space<hbm>>) dst(%arg6 : memref<64xi32, #tpu.memory_space<vmem>>)
      tpu.yield
    }) : () -> ()
    "tpu.region"() ({
      %run_scoped3A_140 = tpu.sem_alloc : memref<!tpu.dma_semaphore, #tpu.memory_space<semaphore_mem>>
      tpu.enqueue_dma source(%arg4 : memref<4096xf32, #tpu.memory_space<hbm>>) target(%arg7 : memref<4096xf32, #tpu.memory_space<vmem>>) target_semaphore(%run_scoped3A_140 : memref<!tpu.dma_semaphore, #tpu.memory_space<semaphore_mem>>)
      tpu.wait_dma2 semaphore(%run_scoped3A_140 : memref<!tpu.dma_semaphore, #tpu.memory_space<semaphore_mem>>) src(%arg4 : memref<4096xf32, #tpu.memory_space<hbm>>) dst(%arg7 : memref<4096xf32, #tpu.memory_space<vmem>>)
      tpu.yield
    }) : () -> ()
    %iota3A = tpu.iota {dimensions = array<i32: 0>} : vector<16xi32>
    %mul3A_1 = arith.constant 2 : i32
    %mul3A_2 = arith.muli %mul3A_1, %add3A : i32
    %add3A_3 = arith.constant 1 : i32
    %add3A_4 = arith.addi %mul3A_2, %add3A_3 : i32
    %get3A = arith.constant 0 : index
    %get3A_5 = tpu.vector_load %arg6[%get3A] {strides = array<i32>} : memref<64xi32, #tpu.memory_space<vmem>>, vector<16xi32>,
    %add3A_6 = arith.constant 0 : i32
    %add3A_7 = vector.broadcast %add3A_6 : i32 to vector<16xi32>
    %add3A_8 = arith.addi %add3A_7, %iota3A : vector<16xi32>
    %eq3A = vector.broadcast %mul3A_2 : i32 to vector<16xi32>
    %eq3A_9 = arith.cmpi eq, %add3A_8, %eq3A : vector<16xi32>
    %jit3A = arith.constant -1 : i32
    %broadcast_in_dim3A = vector.broadcast %jit3A : i32 to vector<16xi32>
    %select_n3A = arith.select %eq3A_9, %get3A_5, %broadcast_in_dim3A : vector<16xi1>, vector<16xi32>
    %reduce_max3A = arith.constant true
    %reduce_max3A_10 = vector.broadcast %reduce_max3A : i1 to vector<16xi1>
    %reduce_max3A_11 = arith.constant -2147483648 : i32
    %reduce_max3A_12 = vector.broadcast %reduce_max3A_11 : i32 to vector<16xi32>
    %reduce_max3A_13 = arith.xori %select_n3A, %reduce_max3A_12 : vector<16xi32>
    %reduce_max3A_14 = tpu.scan <max>, %reduce_max3A_13 masked %reduce_max3A_10 : vector<16xi32>, vector<16xi1> -> vector<16xi32>
    %reduce_max3A_15 = arith.xori %reduce_max3A_14, %reduce_max3A_12 : vector<16xi32>
    %reduce_max3A_16 = vector.extract %reduce_max3A_15[15] : i32 from vector<16xi32>
    %max3A = arith.constant -1 : i32
    %max3A_17 = arith.maxsi %max3A, %reduce_max3A_16 : i32
    %eq3A_18 = vector.broadcast %add3A_4 : i32 to vector<16xi32>
    %eq3A_19 = arith.cmpi eq, %add3A_8, %eq3A_18 : vector<16xi32>
    %jit3A_20 = arith.constant -1 : i32
    %broadcast_in_dim3A_21 = vector.broadcast %jit3A_20 : i32 to vector<16xi32>
    %select_n3A_22 = arith.select %eq3A_19, %get3A_5, %broadcast_in_dim3A_21 : vector<16xi1>, vector<16xi32>
    %reduce_max3A_23 = arith.constant true
    %reduce_max3A_24 = vector.broadcast %reduce_max3A_23 : i1 to vector<16xi1>
    %reduce_max3A_25 = arith.constant -2147483648 : i32
    %reduce_max3A_26 = vector.broadcast %reduce_max3A_25 : i32 to vector<16xi32>
    %reduce_max3A_27 = arith.xori %select_n3A_22, %reduce_max3A_26 : vector<16xi32>
    %reduce_max3A_28 = tpu.scan <max>, %reduce_max3A_27 masked %reduce_max3A_24 : vector<16xi32>, vector<16xi1> -> vector<16xi32>
    %reduce_max3A_29 = arith.xori %reduce_max3A_28, %reduce_max3A_26 : vector<16xi32>
    %reduce_max3A_30 = vector.extract %reduce_max3A_29[15] : i32 from vector<16xi32>
    %max3A_31 = arith.constant -1 : i32
    %max3A_32 = arith.maxsi %max3A_31, %reduce_max3A_30 : i32
    %get3A_33 = arith.constant 16 : index
    %get3A_34 = tpu.vector_load %arg6[%get3A_33] {strides = array<i32>} : memref<64xi32, #tpu.memory_space<vmem>>, vector<16xi32>,
    %add3A_35 = arith.constant 16 : i32
    %add3A_36 = vector.broadcast %add3A_35 : i32 to vector<16xi32>
    %add3A_37 = arith.addi %add3A_36, %iota3A : vector<16xi32>
    %eq3A_38 = vector.broadcast %mul3A_2 : i32 to vector<16xi32>
    %eq3A_39 = arith.cmpi eq, %add3A_37, %eq3A_38 : vector<16xi32>
    %jit3A_40 = arith.constant -1 : i32
    %broadcast_in_dim3A_41 = vector.broadcast %jit3A_40 : i32 to vector<16xi32>
    %select_n3A_42 = arith.select %eq3A_39, %get3A_34, %broadcast_in_dim3A_41 : vector<16xi1>, vector<16xi32>
    %reduce_max3A_43 = arith.constant true
    %reduce_max3A_44 = vector.broadcast %reduce_max3A_43 : i1 to vector<16xi1>
    %reduce_max3A_45 = arith.constant -2147483648 : i32
    %reduce_max3A_46 = vector.broadcast %reduce_max3A_45 : i32 to vector<16xi32>
    %reduce_max3A_47 = arith.xori %select_n3A_42, %reduce_max3A_46 : vector<16xi32>
    %reduce_max3A_48 = tpu.scan <max>, %reduce_max3A_47 masked %reduce_max3A_44 : vector<16xi32>, vector<16xi1> -> vector<16xi32>
    %reduce_max3A_49 = arith.xori %reduce_max3A_48, %reduce_max3A_46 : vector<16xi32>
    %reduce_max3A_50 = vector.extract %reduce_max3A_49[15] : i32 from vector<16xi32>
    %max3A_51 = arith.maxsi %max3A_17, %reduce_max3A_50 : i32
    %eq3A_52 = vector.broadcast %add3A_4 : i32 to vector<16xi32>
    %eq3A_53 = arith.cmpi eq, %add3A_37, %eq3A_52 : vector<16xi32>
    %jit3A_54 = arith.constant -1 : i32
    %broadcast_in_dim3A_55 = vector.broadcast %jit3A_54 : i32 to vector<16xi32>
    %select_n3A_56 = arith.select %eq3A_53, %get3A_34, %broadcast_in_dim3A_55 : vector<16xi1>, vector<16xi32>
    %reduce_max3A_57 = arith.constant true
    %reduce_max3A_58 = vector.broadcast %reduce_max3A_57 : i1 to vector<16xi1>
    %reduce_max3A_59 = arith.constant -2147483648 : i32
    %reduce_max3A_60 = vector.broadcast %reduce_max3A_59 : i32 to vector<16xi32>
    %reduce_max3A_61 = arith.xori %select_n3A_56, %reduce_max3A_60 : vector<16xi32>
    %reduce_max3A_62 = tpu.scan <max>, %reduce_max3A_61 masked %reduce_max3A_58 : vector<16xi32>, vector<16xi1> -> vector<16xi32>
    %reduce_max3A_63 = arith.xori %reduce_max3A_62, %reduce_max3A_60 : vector<16xi32>
    %reduce_max3A_64 = vector.extract %reduce_max3A_63[15] : i32 from vector<16xi32>
    %max3A_65 = arith.maxsi %max3A_32, %reduce_max3A_64 : i32
    %get3A_66 = arith.constant 32 : index
    %get3A_67 = tpu.vector_load %arg6[%get3A_66] {strides = array<i32>} : memref<64xi32, #tpu.memory_space<vmem>>, vector<16xi32>,
    %add3A_68 = arith.constant 32 : i32
    %add3A_69 = vector.broadcast %add3A_68 : i32 to vector<16xi32>
    %add3A_70 = arith.addi %add3A_69, %iota3A : vector<16xi32>
    %eq3A_71 = vector.broadcast %mul3A_2 : i32 to vector<16xi32>
    %eq3A_72 = arith.cmpi eq, %add3A_70, %eq3A_71 : vector<16xi32>
    %jit3A_73 = arith.constant -1 : i32
    %broadcast_in_dim3A_74 = vector.broadcast %jit3A_73 : i32 to vector<16xi32>
    %select_n3A_75 = arith.select %eq3A_72, %get3A_67, %broadcast_in_dim3A_74 : vector<16xi1>, vector<16xi32>
    %reduce_max3A_76 = arith.constant true
    %reduce_max3A_77 = vector.broadcast %reduce_max3A_76 : i1 to vector<16xi1>
    %reduce_max3A_78 = arith.constant -2147483648 : i32
    %reduce_max3A_79 = vector.broadcast %reduce_max3A_78 : i32 to vector<16xi32>
    %reduce_max3A_80 = arith.xori %select_n3A_75, %reduce_max3A_79 : vector<16xi32>
    %reduce_max3A_81 = tpu.scan <max>, %reduce_max3A_80 masked %reduce_max3A_77 : vector<16xi32>, vector<16xi1> -> vector<16xi32>
    %reduce_max3A_82 = arith.xori %reduce_max3A_81, %reduce_max3A_79 : vector<16xi32>
    %reduce_max3A_83 = vector.extract %reduce_max3A_82[15] : i32 from vector<16xi32>
    %max3A_84 = arith.maxsi %max3A_51, %reduce_max3A_83 : i32
    %eq3A_85 = vector.broadcast %add3A_4 : i32 to vector<16xi32>
    %eq3A_86 = arith.cmpi eq, %add3A_70, %eq3A_85 : vector<16xi32>
    %jit3A_87 = arith.constant -1 : i32
    %broadcast_in_dim3A_88 = vector.broadcast %jit3A_87 : i32 to vector<16xi32>
    %select_n3A_89 = arith.select %eq3A_86, %get3A_67, %broadcast_in_dim3A_88 : vector<16xi1>, vector<16xi32>
    %reduce_max3A_90 = arith.constant true
    %reduce_max3A_91 = vector.broadcast %reduce_max3A_90 : i1 to vector<16xi1>
    %reduce_max3A_92 = arith.constant -2147483648 : i32
    %reduce_max3A_93 = vector.broadcast %reduce_max3A_92 : i32 to vector<16xi32>
    %reduce_max3A_94 = arith.xori %select_n3A_89, %reduce_max3A_93 : vector<16xi32>
    %reduce_max3A_95 = tpu.scan <max>, %reduce_max3A_94 masked %reduce_max3A_91 : vector<16xi32>, vector<16xi1> -> vector<16xi32>
    %reduce_max3A_96 = arith.xori %reduce_max3A_95, %reduce_max3A_93 : vector<16xi32>
    %reduce_max3A_97 = vector.extract %reduce_max3A_96[15] : i32 from vector<16xi32>
    %max3A_98 = arith.maxsi %max3A_65, %reduce_max3A_97 : i32
    %get3A_99 = arith.constant 48 : index
    %get3A_100 = tpu.vector_load %arg6[%get3A_99] {strides = array<i32>} : memref<64xi32, #tpu.memory_space<vmem>>, vector<16xi32>,
    %add3A_101 = arith.constant 48 : i32
    %add3A_102 = vector.broadcast %add3A_101 : i32 to vector<16xi32>
    %add3A_103 = arith.addi %add3A_102, %iota3A : vector<16xi32>
    %eq3A_104 = vector.broadcast %mul3A_2 : i32 to vector<16xi32>
    %eq3A_105 = arith.cmpi eq, %add3A_103, %eq3A_104 : vector<16xi32>
    %jit3A_106 = arith.constant -1 : i32
    %broadcast_in_dim3A_107 = vector.broadcast %jit3A_106 : i32 to vector<16xi32>
    %select_n3A_108 = arith.select %eq3A_105, %get3A_100, %broadcast_in_dim3A_107 : vector<16xi1>, vector<16xi32>
    %reduce_max3A_109 = arith.constant true
    %reduce_max3A_110 = vector.broadcast %reduce_max3A_109 : i1 to vector<16xi1>
    %reduce_max3A_111 = arith.constant -2147483648 : i32
    %reduce_max3A_112 = vector.broadcast %reduce_max3A_111 : i32 to vector<16xi32>
    %reduce_max3A_113 = arith.xori %select_n3A_108, %reduce_max3A_112 : vector<16xi32>
    %reduce_max3A_114 = tpu.scan <max>, %reduce_max3A_113 masked %reduce_max3A_110 : vector<16xi32>, vector<16xi1> -> vector<16xi32>
    %reduce_max3A_115 = arith.xori %reduce_max3A_114, %reduce_max3A_112 : vector<16xi32>
    %reduce_max3A_116 = vector.extract %reduce_max3A_115[15] : i32 from vector<16xi32>
    %max3A_117 = arith.maxsi %max3A_84, %reduce_max3A_116 : i32
    %eq3A_118 = vector.broadcast %add3A_4 : i32 to vector<16xi32>
    %eq3A_119 = arith.cmpi eq, %add3A_103, %eq3A_118 : vector<16xi32>
    %jit3A_120 = arith.constant -1 : i32
    %broadcast_in_dim3A_121 = vector.broadcast %jit3A_120 : i32 to vector<16xi32>
    %select_n3A_122 = arith.select %eq3A_119, %get3A_100, %broadcast_in_dim3A_121 : vector<16xi1>, vector<16xi32>
    %reduce_max3A_123 = arith.constant true
    %reduce_max3A_124 = vector.broadcast %reduce_max3A_123 : i1 to vector<16xi1>
    %reduce_max3A_125 = arith.constant -2147483648 : i32
    %reduce_max3A_126 = vector.broadcast %reduce_max3A_125 : i32 to vector<16xi32>
    %reduce_max3A_127 = arith.xori %select_n3A_122, %reduce_max3A_126 : vector<16xi32>
    %reduce_max3A_128 = tpu.scan <max>, %reduce_max3A_127 masked %reduce_max3A_124 : vector<16xi32>, vector<16xi1> -> vector<16xi32>
    %reduce_max3A_129 = arith.xori %reduce_max3A_128, %reduce_max3A_126 : vector<16xi32>
    %reduce_max3A_130 = vector.extract %reduce_max3A_129[15] : i32 from vector<16xi32>
    %max3A_131 = arith.maxsi %max3A_98, %reduce_max3A_130 : i32
    %run_scoped3A = arith.constant 0 : i32
    "tpu.region"() ({
      %run_scoped3A_140 = tpu.sem_alloc : memref<!tpu.dma_semaphore, #tpu.memory_space<semaphore_mem>>
      %dma_start3A = arith.constant 0 : i32
      %dma_start3A_141 = tpu.memref_slice %arg8[%run_scoped3A, %dma_start3A] : memref<2x4096xf32, #tpu.memory_space<vmem>> -> memref<1x4096xf32, #tpu.memory_space<vmem>>
      %dma_start3A_142 = tpu.memref_squeeze %dma_start3A_141 : memref<1x4096xf32, #tpu.memory_space<vmem>> -> memref<4096xf32, #tpu.memory_space<vmem>>
      %dma_start3A_143 = arith.constant 0 : i32
      %dma_start3A_144 = tpu.memref_slice %arg2[%max3A_117, %dma_start3A_143] : memref<16384x4096xf32, #tpu.memory_space<hbm>> -> memref<1x4096xf32, #tpu.memory_space<hbm>>
      %dma_start3A_145 = tpu.memref_squeeze %dma_start3A_144 : memref<1x4096xf32, #tpu.memory_space<hbm>> -> memref<4096xf32, #tpu.memory_space<hbm>>
      %dma_start3A_146 = arith.constant 0 : i32
      %dma_start3A_147 = tpu.memref_slice %arg8[%run_scoped3A, %dma_start3A_146] : memref<2x4096xf32, #tpu.memory_space<vmem>> -> memref<1x4096xf32, #tpu.memory_space<vmem>>
      %dma_start3A_148 = tpu.memref_squeeze %dma_start3A_147 : memref<1x4096xf32, #tpu.memory_space<vmem>> -> memref<4096xf32, #tpu.memory_space<vmem>>
      %dma_start3A_149 = arith.constant 0 : i32
      %dma_start3A_150 = tpu.memref_slice %arg2[%max3A_117, %dma_start3A_149] : memref<16384x4096xf32, #tpu.memory_space<hbm>> -> memref<1x4096xf32, #tpu.memory_space<hbm>>
      %dma_start3A_151 = tpu.memref_squeeze %dma_start3A_150 : memref<1x4096xf32, #tpu.memory_space<hbm>> -> memref<4096xf32, #tpu.memory_space<hbm>>
      tpu.enqueue_dma source(%dma_start3A_151 : memref<4096xf32, #tpu.memory_space<hbm>>) target(%dma_start3A_148 : memref<4096xf32, #tpu.memory_space<vmem>>) target_semaphore(%run_scoped3A_140 : memref<!tpu.dma_semaphore, #tpu.memory_space<semaphore_mem>>)
      %dma_wait3A = arith.constant 0 : i32
      %dma_wait3A_152 = tpu.memref_slice %arg8[%run_scoped3A, %dma_wait3A] : memref<2x4096xf32, #tpu.memory_space<vmem>> -> memref<1x4096xf32, #tpu.memory_space<vmem>>
      %dma_wait3A_153 = tpu.memref_squeeze %dma_wait3A_152 : memref<1x4096xf32, #tpu.memory_space<vmem>> -> memref<4096xf32, #tpu.memory_space<vmem>>
      %dma_wait3A_154 = arith.constant 0 : i32
      %dma_wait3A_155 = tpu.memref_slice %arg2[%max3A_117, %dma_wait3A_154] : memref<16384x4096xf32, #tpu.memory_space<hbm>> -> memref<1x4096xf32, #tpu.memory_space<hbm>>
      %dma_wait3A_156 = tpu.memref_squeeze %dma_wait3A_155 : memref<1x4096xf32, #tpu.memory_space<hbm>> -> memref<4096xf32, #tpu.memory_space<hbm>>
      %dma_wait3A_157 = arith.constant 0 : i32
      %dma_wait3A_158 = tpu.memref_slice %arg8[%run_scoped3A, %dma_wait3A_157] : memref<2x4096xf32, #tpu.memory_space<vmem>> -> memref<1x4096xf32, #tpu.memory_space<vmem>>
      %dma_wait3A_159 = tpu.memref_squeeze %dma_wait3A_158 : memref<1x4096xf32, #tpu.memory_space<vmem>> -> memref<4096xf32, #tpu.memory_space<vmem>>
      %dma_wait3A_160 = arith.constant 0 : i32
      %dma_wait3A_161 = tpu.memref_slice %arg2[%max3A_117, %dma_wait3A_160] : memref<16384x4096xf32, #tpu.memory_space<hbm>> -> memref<1x4096xf32, #tpu.memory_space<hbm>>
      %dma_wait3A_162 = tpu.memref_squeeze %dma_wait3A_161 : memref<1x4096xf32, #tpu.memory_space<hbm>> -> memref<4096xf32, #tpu.memory_space<hbm>>
      tpu.wait_dma2 semaphore(%run_scoped3A_140 : memref<!tpu.dma_semaphore, #tpu.memory_space<semaphore_mem>>) src(%dma_wait3A_162 : memref<4096xf32, #tpu.memory_space<hbm>>) dst(%dma_wait3A_159 : memref<4096xf32, #tpu.memory_space<vmem>>)
      tpu.yield
    }) : () -> ()
    %run_scoped3A_132 = arith.constant 1 : i32
    "tpu.region"() ({
      %run_scoped3A_140 = tpu.sem_alloc : memref<!tpu.dma_semaphore, #tpu.memory_space<semaphore_mem>>
      %dma_start3A = arith.constant 0 : i32
      %dma_start3A_141 = tpu.memref_slice %arg8[%run_scoped3A_132, %dma_start3A] : memref<2x4096xf32, #tpu.memory_space<vmem>> -> memref<1x4096xf32, #tpu.memory_space<vmem>>
      %dma_start3A_142 = tpu.memref_squeeze %dma_start3A_141 : memref<1x4096xf32, #tpu.memory_space<vmem>> -> memref<4096xf32, #tpu.memory_space<vmem>>
      %dma_start3A_143 = arith.constant 0 : i32
      %dma_start3A_144 = tpu.memref_slice %arg2[%max3A_131, %dma_start3A_143] : memref<16384x4096xf32, #tpu.memory_space<hbm>> -> memref<1x4096xf32, #tpu.memory_space<hbm>>
      %dma_start3A_145 = tpu.memref_squeeze %dma_start3A_144 : memref<1x4096xf32, #tpu.memory_space<hbm>> -> memref<4096xf32, #tpu.memory_space<hbm>>
      %dma_start3A_146 = arith.constant 0 : i32
      %dma_start3A_147 = tpu.memref_slice %arg8[%run_scoped3A_132, %dma_start3A_146] : memref<2x4096xf32, #tpu.memory_space<vmem>> -> memref<1x4096xf32, #tpu.memory_space<vmem>>
      %dma_start3A_148 = tpu.memref_squeeze %dma_start3A_147 : memref<1x4096xf32, #tpu.memory_space<vmem>> -> memref<4096xf32, #tpu.memory_space<vmem>>
      %dma_start3A_149 = arith.constant 0 : i32
      %dma_start3A_150 = tpu.memref_slice %arg2[%max3A_131, %dma_start3A_149] : memref<16384x4096xf32, #tpu.memory_space<hbm>> -> memref<1x4096xf32, #tpu.memory_space<hbm>>
      %dma_start3A_151 = tpu.memref_squeeze %dma_start3A_150 : memref<1x4096xf32, #tpu.memory_space<hbm>> -> memref<4096xf32, #tpu.memory_space<hbm>>
      tpu.enqueue_dma source(%dma_start3A_151 : memref<4096xf32, #tpu.memory_space<hbm>>) target(%dma_start3A_148 : memref<4096xf32, #tpu.memory_space<vmem>>) target_semaphore(%run_scoped3A_140 : memref<!tpu.dma_semaphore, #tpu.memory_space<semaphore_mem>>)
      %dma_wait3A = arith.constant 0 : i32
      %dma_wait3A_152 = tpu.memref_slice %arg8[%run_scoped3A_132, %dma_wait3A] : memref<2x4096xf32, #tpu.memory_space<vmem>> -> memref<1x4096xf32, #tpu.memory_space<vmem>>
      %dma_wait3A_153 = tpu.memref_squeeze %dma_wait3A_152 : memref<1x4096xf32, #tpu.memory_space<vmem>> -> memref<4096xf32, #tpu.memory_space<vmem>>
      %dma_wait3A_154 = arith.constant 0 : i32
      %dma_wait3A_155 = tpu.memref_slice %arg2[%max3A_131, %dma_wait3A_154] : memref<16384x4096xf32, #tpu.memory_space<hbm>> -> memref<1x4096xf32, #tpu.memory_space<hbm>>
      %dma_wait3A_156 = tpu.memref_squeeze %dma_wait3A_155 : memref<1x4096xf32, #tpu.memory_space<hbm>> -> memref<4096xf32, #tpu.memory_space<hbm>>
      %dma_wait3A_157 = arith.constant 0 : i32
      %dma_wait3A_158 = tpu.memref_slice %arg8[%run_scoped3A_132, %dma_wait3A_157] : memref<2x4096xf32, #tpu.memory_space<vmem>> -> memref<1x4096xf32, #tpu.memory_space<vmem>>
      %dma_wait3A_159 = tpu.memref_squeeze %dma_wait3A_158 : memref<1x4096xf32, #tpu.memory_space<vmem>> -> memref<4096xf32, #tpu.memory_space<vmem>>
      %dma_wait3A_160 = arith.constant 0 : i32
      %dma_wait3A_161 = tpu.memref_slice %arg2[%max3A_131, %dma_wait3A_160] : memref<16384x4096xf32, #tpu.memory_space<hbm>> -> memref<1x4096xf32, #tpu.memory_space<hbm>>
      %dma_wait3A_162 = tpu.memref_squeeze %dma_wait3A_161 : memref<1x4096xf32, #tpu.memory_space<hbm>> -> memref<4096xf32, #tpu.memory_space<hbm>>
      tpu.wait_dma2 semaphore(%run_scoped3A_140 : memref<!tpu.dma_semaphore, #tpu.memory_space<semaphore_mem>>) src(%dma_wait3A_162 : memref<4096xf32, #tpu.memory_space<hbm>>) dst(%dma_wait3A_159 : memref<4096xf32, #tpu.memory_space<vmem>>)
      tpu.yield
    }) : () -> ()
    %scan3A = arith.constant 0 : i32
    %scan3A_133 = arith.constant 0 : i32
    %scan3A_134 = arith.constant 256 : i32
    %scan3A_135 = arith.addi %scan3A_133, %scan3A_134 : i32
    %scan3A_136 = arith.constant 1 : i32
    scf.for %scan3A_140 = %scan3A_133 to %scan3A_135 step %scan3A_136  : i32 {
      %mul3A_141 = arith.constant 16 : i32
      %mul3A_142 = arith.muli %scan3A_140, %mul3A_141 : i32
      %get3A_143 = arith.constant 0 : i32
      %get3A_144 = arith.index_cast %get3A_143 : i32 to index
      %get3A_145 = arith.index_cast %mul3A_142 : i32 to index
      %get3A_146 = tpu.vector_load %arg8[%get3A_144, %get3A_145] {strides = array<i32>} : memref<2x4096xf32, #tpu.memory_space<vmem>>, vector<16xf32>,
      %get3A_147 = arith.index_cast %mul3A_142 : i32 to index
      %get3A_148 = tpu.vector_load %arg7[%get3A_147] {strides = array<i32>} : memref<4096xf32, #tpu.memory_space<vmem>>, vector<16xf32>,
      %add3A_149 = arith.addf %get3A_146, %get3A_148 : vector<16xf32>
      %swap3A = arith.constant 0 : i32
      %swap3A_150 = arith.index_cast %swap3A : i32 to index
      %swap3A_151 = arith.index_cast %mul3A_142 : i32 to index
      %swap3A_152 = tpu.vector_load %arg8[%swap3A_150, %swap3A_151] {strides = array<i32>} : memref<2x4096xf32, #tpu.memory_space<vmem>>, vector<16xf32>,
      tpu.vector_store %arg8[%swap3A_150, %swap3A_151], %add3A_149 {strides = array<i32>} : memref<2x4096xf32, #tpu.memory_space<vmem>>, vector<16xf32>,
      %get3A_153 = arith.constant 1 : i32
      %get3A_154 = arith.index_cast %get3A_153 : i32 to index
      %get3A_155 = arith.index_cast %mul3A_142 : i32 to index
      %get3A_156 = tpu.vector_load %arg8[%get3A_154, %get3A_155] {strides = array<i32>} : memref<2x4096xf32, #tpu.memory_space<vmem>>, vector<16xf32>,
      %get3A_157 = arith.index_cast %mul3A_142 : i32 to index
      %get3A_158 = tpu.vector_load %arg7[%get3A_157] {strides = array<i32>} : memref<4096xf32, #tpu.memory_space<vmem>>, vector<16xf32>,
      %add3A_159 = arith.addf %get3A_156, %get3A_158 : vector<16xf32>
      %swap3A_160 = arith.constant 1 : i32
      %swap3A_161 = arith.index_cast %swap3A_160 : i32 to index
      %swap3A_162 = arith.index_cast %mul3A_142 : i32 to index
      %swap3A_163 = tpu.vector_load %arg8[%swap3A_161, %swap3A_162] {strides = array<i32>} : memref<2x4096xf32, #tpu.memory_space<vmem>>, vector<16xf32>,
      tpu.vector_store %arg8[%swap3A_161, %swap3A_162], %add3A_159 {strides = array<i32>} : memref<2x4096xf32, #tpu.memory_space<vmem>>, vector<16xf32>,
    }
    %scan3A_137 = arith.constant 256 : i32
    %run_scoped3A_138 = arith.constant 0 : i32
    "tpu.region"() ({
      %run_scoped3A_140 = tpu.sem_alloc : memref<!tpu.dma_semaphore, #tpu.memory_space<semaphore_mem>>
      %dma_start3A = arith.constant 0 : i32
      %dma_start3A_141 = tpu.memref_slice %arg8[%run_scoped3A_138, %dma_start3A] : memref<2x4096xf32, #tpu.memory_space<vmem>> -> memref<1x4096xf32, #tpu.memory_space<vmem>>
      %dma_start3A_142 = tpu.memref_squeeze %dma_start3A_141 : memref<1x4096xf32, #tpu.memory_space<vmem>> -> memref<4096xf32, #tpu.memory_space<vmem>>
      %dma_start3A_143 = arith.constant 0 : i32
      %dma_start3A_144 = tpu.memref_slice %arg5[%mul3A_2, %dma_start3A_143] : memref<64x4096xf32, #tpu.memory_space<hbm>> -> memref<1x4096xf32, #tpu.memory_space<hbm>>
      %dma_start3A_145 = tpu.memref_squeeze %dma_start3A_144 : memref<1x4096xf32, #tpu.memory_space<hbm>> -> memref<4096xf32, #tpu.memory_space<hbm>>
      %dma_start3A_146 = arith.constant 0 : i32
      %dma_start3A_147 = tpu.memref_slice %arg5[%mul3A_2, %dma_start3A_146] : memref<64x4096xf32, #tpu.memory_space<hbm>> -> memref<1x4096xf32, #tpu.memory_space<hbm>>
      %dma_start3A_148 = tpu.memref_squeeze %dma_start3A_147 : memref<1x4096xf32, #tpu.memory_space<hbm>> -> memref<4096xf32, #tpu.memory_space<hbm>>
      %dma_start3A_149 = arith.constant 0 : i32
      %dma_start3A_150 = tpu.memref_slice %arg8[%run_scoped3A_138, %dma_start3A_149] : memref<2x4096xf32, #tpu.memory_space<vmem>> -> memref<1x4096xf32, #tpu.memory_space<vmem>>
      %dma_start3A_151 = tpu.memref_squeeze %dma_start3A_150 : memref<1x4096xf32, #tpu.memory_space<vmem>> -> memref<4096xf32, #tpu.memory_space<vmem>>
      tpu.enqueue_dma source(%dma_start3A_151 : memref<4096xf32, #tpu.memory_space<vmem>>) target(%dma_start3A_148 : memref<4096xf32, #tpu.memory_space<hbm>>) target_semaphore(%run_scoped3A_140 : memref<!tpu.dma_semaphore, #tpu.memory_space<semaphore_mem>>)
      %dma_wait3A = arith.constant 0 : i32
      %dma_wait3A_152 = tpu.memref_slice %arg8[%run_scoped3A_138, %dma_wait3A] : memref<2x4096xf32, #tpu.memory_space<vmem>> -> memref<1x4096xf32, #tpu.memory_space<vmem>>
      %dma_wait3A_153 = tpu.memref_squeeze %dma_wait3A_152 : memref<1x4096xf32, #tpu.memory_space<vmem>> -> memref<4096xf32, #tpu.memory_space<vmem>>
      %dma_wait3A_154 = arith.constant 0 : i32
      %dma_wait3A_155 = tpu.memref_slice %arg5[%mul3A_2, %dma_wait3A_154] : memref<64x4096xf32, #tpu.memory_space<hbm>> -> memref<1x4096xf32, #tpu.memory_space<hbm>>
      %dma_wait3A_156 = tpu.memref_squeeze %dma_wait3A_155 : memref<1x4096xf32, #tpu.memory_space<hbm>> -> memref<4096xf32, #tpu.memory_space<hbm>>
      %dma_wait3A_157 = arith.constant 0 : i32
      %dma_wait3A_158 = tpu.memref_slice %arg5[%mul3A_2, %dma_wait3A_157] : memref<64x4096xf32, #tpu.memory_space<hbm>> -> memref<1x4096xf32, #tpu.memory_space<hbm>>
      %dma_wait3A_159 = tpu.memref_squeeze %dma_wait3A_158 : memref<1x4096xf32, #tpu.memory_space<hbm>> -> memref<4096xf32, #tpu.memory_space<hbm>>
      %dma_wait3A_160 = arith.constant 0 : i32
      %dma_wait3A_161 = tpu.memref_slice %arg8[%run_scoped3A_138, %dma_wait3A_160] : memref<2x4096xf32, #tpu.memory_space<vmem>> -> memref<1x4096xf32, #tpu.memory_space<vmem>>
      %dma_wait3A_162 = tpu.memref_squeeze %dma_wait3A_161 : memref<1x4096xf32, #tpu.memory_space<vmem>> -> memref<4096xf32, #tpu.memory_space<vmem>>
      tpu.wait_dma2 semaphore(%run_scoped3A_140 : memref<!tpu.dma_semaphore, #tpu.memory_space<semaphore_mem>>) src(%dma_wait3A_162 : memref<4096xf32, #tpu.memory_space<vmem>>) dst(%dma_wait3A_159 : memref<4096xf32, #tpu.memory_space<hbm>>)
      tpu.yield
    }) : () -> ()
    %run_scoped3A_139 = arith.constant 1 : i32
    "tpu.region"() ({
      %run_scoped3A_140 = tpu.sem_alloc : memref<!tpu.dma_semaphore, #tpu.memory_space<semaphore_mem>>
      %dma_start3A = arith.constant 0 : i32
      %dma_start3A_141 = tpu.memref_slice %arg8[%run_scoped3A_139, %dma_start3A] : memref<2x4096xf32, #tpu.memory_space<vmem>> -> memref<1x4096xf32, #tpu.memory_space<vmem>>
      %dma_start3A_142 = tpu.memref_squeeze %dma_start3A_141 : memref<1x4096xf32, #tpu.memory_space<vmem>> -> memref<4096xf32, #tpu.memory_space<vmem>>
      %dma_start3A_143 = arith.constant 0 : i32
      %dma_start3A_144 = tpu.memref_slice %arg5[%add3A_4, %dma_start3A_143] : memref<64x4096xf32, #tpu.memory_space<hbm>> -> memref<1x4096xf32, #tpu.memory_space<hbm>>
      %dma_start3A_145 = tpu.memref_squeeze %dma_start3A_144 : memref<1x4096xf32, #tpu.memory_space<hbm>> -> memref<4096xf32, #tpu.memory_space<hbm>>
      %dma_start3A_146 = arith.constant 0 : i32
      %dma_start3A_147 = tpu.memref_slice %arg5[%add3A_4, %dma_start3A_146] : memref<64x4096xf32, #tpu.memory_space<hbm>> -> memref<1x4096xf32, #tpu.memory_space<hbm>>
      %dma_start3A_148 = tpu.memref_squeeze %dma_start3A_147 : memref<1x4096xf32, #tpu.memory_space<hbm>> -> memref<4096xf32, #tpu.memory_space<hbm>>
      %dma_start3A_149 = arith.constant 0 : i32
      %dma_start3A_150 = tpu.memref_slice %arg8[%run_scoped3A_139, %dma_start3A_149] : memref<2x4096xf32, #tpu.memory_space<vmem>> -> memref<1x4096xf32, #tpu.memory_space<vmem>>
      %dma_start3A_151 = tpu.memref_squeeze %dma_start3A_150 : memref<1x4096xf32, #tpu.memory_space<vmem>> -> memref<4096xf32, #tpu.memory_space<vmem>>
      tpu.enqueue_dma source(%dma_start3A_151 : memref<4096xf32, #tpu.memory_space<vmem>>) target(%dma_start3A_148 : memref<4096xf32, #tpu.memory_space<hbm>>) target_semaphore(%run_scoped3A_140 : memref<!tpu.dma_semaphore, #tpu.memory_space<semaphore_mem>>)
      %dma_wait3A = arith.constant 0 : i32
      %dma_wait3A_152 = tpu.memref_slice %arg8[%run_scoped3A_139, %dma_wait3A] : memref<2x4096xf32, #tpu.memory_space<vmem>> -> memref<1x4096xf32, #tpu.memory_space<vmem>>
      %dma_wait3A_153 = tpu.memref_squeeze %dma_wait3A_152 : memref<1x4096xf32, #tpu.memory_space<vmem>> -> memref<4096xf32, #tpu.memory_space<vmem>>
      %dma_wait3A_154 = arith.constant 0 : i32
      %dma_wait3A_155 = tpu.memref_slice %arg5[%add3A_4, %dma_wait3A_154] : memref<64x4096xf32, #tpu.memory_space<hbm>> -> memref<1x4096xf32, #tpu.memory_space<hbm>>
      %dma_wait3A_156 = tpu.memref_squeeze %dma_wait3A_155 : memref<1x4096xf32, #tpu.memory_space<hbm>> -> memref<4096xf32, #tpu.memory_space<hbm>>
      %dma_wait3A_157 = arith.constant 0 : i32
      %dma_wait3A_158 = tpu.memref_slice %arg5[%add3A_4, %dma_wait3A_157] : memref<64x4096xf32, #tpu.memory_space<hbm>> -> memref<1x4096xf32, #tpu.memory_space<hbm>>
      %dma_wait3A_159 = tpu.memref_squeeze %dma_wait3A_158 : memref<1x4096xf32, #tpu.memory_space<hbm>> -> memref<4096xf32, #tpu.memory_space<hbm>>
      %dma_wait3A_160 = arith.constant 0 : i32
      %dma_wait3A_161 = tpu.memref_slice %arg8[%run_scoped3A_139, %dma_wait3A_160] : memref<2x4096xf32, #tpu.memory_space<vmem>> -> memref<1x4096xf32, #tpu.memory_space<vmem>>
      %dma_wait3A_162 = tpu.memref_squeeze %dma_wait3A_161 : memref<1x4096xf32, #tpu.memory_space<vmem>> -> memref<4096xf32, #tpu.memory_space<vmem>>
      tpu.wait_dma2 semaphore(%run_scoped3A_140 : memref<!tpu.dma_semaphore, #tpu.memory_space<semaphore_mem>>) src(%dma_wait3A_162 : memref<4096xf32, #tpu.memory_space<vmem>>) dst(%dma_wait3A_159 : memref<4096xf32, #tpu.memory_space<hbm>>)
      tpu.yield
    }) : () -> ()
    return
  }
}

module attributes {stable_mosaic.version = 14 : i64} {
  func.func @_copy_kernel(%arg0: i32, %arg1: i32, %arg2: memref<1024x2048xf32, #tpu.memory_space<vmem>>, %arg3: memref<1024x2048xf32, #tpu.memory_space<vmem>>) attributes {dimension_semantics = [#tpu.dimension_semantics<arbitrary>, #tpu.dimension_semantics<arbitrary>], iteration_bounds = array<i64: 16, 2>, scalar_prefetch = 0 : i64, scratch_operands = 0 : i64, tpu.core_type = #tpu.core_type<tc>, window_params = [{transform_indices = @transform_0, window_bounds = array<i64: 1024, 2048>}, {transform_indices = @transform_1, window_bounds = array<i64: 1024, 2048>}]} {
    %get3A = arith.constant 0 : index
    %get3A_0 = arith.constant 0 : index
    %get3A_1 = vector.load %arg2[%get3A, %get3A_0] : memref<1024x2048xf32, #tpu.memory_space<vmem>>, vector<1024x2048xf32>
    %swap3A = arith.constant 0 : index
    %swap3A_2 = arith.constant 0 : index
    %swap3A_3 = vector.load %arg3[%swap3A, %swap3A_2] : memref<1024x2048xf32, #tpu.memory_space<vmem>>, vector<1024x2048xf32>
    tpu.vector_store %arg3[%swap3A, %swap3A_2], %get3A_1 {strides = array<i32>} : memref<1024x2048xf32, #tpu.memory_space<vmem>>, vector<1024x2048xf32>,
    return
  }
  func.func @transform_0(%arg0: i32, %arg1: i32) -> (i32, i32) {
    %c0_i32 = arith.constant 0 : i32
    return %arg0, %arg1 : i32, i32
  }
  func.func @transform_1(%arg0: i32, %arg1: i32) -> (i32, i32) {
    %c0_i32 = arith.constant 0 : i32
    return %arg0, %arg1 : i32, i32
  }
}

module attributes {stable_mosaic.version = 14 : i64} {
  func.func @_osc_vec_kernel(%arg0: memref<1xf32, #tpu.memory_space<smem>>, %arg1: memref<1x4096xf32, #tpu.memory_space<vmem>>) attributes {dimension_semantics = [], scalar_prefetch = 0 : i64, scratch_operands = 0 : i64, tpu.core_type = #tpu.core_type<tc>} {
    %iota3A = tpu.iota {dimensions = array<i32: 1>} : vector<1x4096xi32>
    %convert_element_type3A = arith.sitofp %iota3A : vector<1x4096xi32> to vector<1x4096xf32>
    %mul3A = arith.constant 0.0125694396 : f32
    %mul3A_0 = vector.broadcast %mul3A : f32 to vector<1x4096xf32>
    %mul3A_1 = arith.mulf %mul3A_0, %convert_element_type3A : vector<1x4096xf32>
    %get3A = arith.constant 0 : index
    %get3A_2 = memref.load %arg0[%get3A] : memref<1xf32, #tpu.memory_space<smem>>
    %add3A = vector.broadcast %get3A_2 : f32 to vector<1x4096xf32>
    %add3A_3 = arith.addf %mul3A_1, %add3A : vector<1x4096xf32>
    %sin3A = math.sin %add3A_3 : vector<1x4096xf32>
    %mul3A_4 = arith.constant 5.000000e-02 : f32
    %mul3A_5 = vector.broadcast %mul3A_4 : f32 to vector<1x4096xf32>
    %mul3A_6 = arith.mulf %mul3A_5, %sin3A : vector<1x4096xf32>
    %swap3A = arith.constant 0 : index
    %swap3A_7 = arith.constant 0 : index
    %swap3A_8 = vector.load %arg1[%swap3A, %swap3A_7] : memref<1x4096xf32, #tpu.memory_space<vmem>>, vector<1x4096xf32>
    tpu.vector_store %arg1[%swap3A, %swap3A_7], %mul3A_6 {strides = array<i32>} : memref<1x4096xf32, #tpu.memory_space<vmem>>, vector<1x4096xf32>,
    return
  }
}

module attributes {stable_mosaic.version = 14 : i64} {
  func.func @_merge_kernel(%arg0: memref<64xi32, #tpu.memory_space<smem>>, %arg1: memref<64x4096xf32, #tpu.memory_space<vmem>>, %arg2: memref<16384x4096xf32, #tpu.memory_space<any>>, %arg3: memref<16384x4096xf32, #tpu.memory_space<any>>, %arg4: memref<!tpu.dma_semaphore, #tpu.memory_space<semaphore_mem>>) attributes {dimension_semantics = [], scalar_prefetch = 0 : i64, scratch_operands = 1 : i64, tpu.core_type = #tpu.core_type<tc>} {
    %get3A = arith.constant 0 : index
    %get3A_0 = memref.load %arg0[%get3A] : memref<64xi32, #tpu.memory_space<smem>>
    %dma_start3A = arith.constant 0 : i32
    %dma_start3A_1 = tpu.memref_slice %arg3[%get3A_0, %dma_start3A] : memref<16384x4096xf32, #tpu.memory_space<any>> -> memref<1x4096xf32, #tpu.memory_space<any>>
    %dma_start3A_2 = arith.constant 0 : i32
    %dma_start3A_3 = arith.constant 0 : i32
    %dma_start3A_4 = tpu.memref_slice %arg1[%dma_start3A_2, %dma_start3A_3] : memref<64x4096xf32, #tpu.memory_space<vmem>> -> memref<1x4096xf32, #tpu.memory_space<vmem>>
    tpu.enqueue_dma source(%dma_start3A_4 : memref<1x4096xf32, #tpu.memory_space<vmem>>) target(%dma_start3A_1 : memref<1x4096xf32, #tpu.memory_space<any>>) target_semaphore(%arg4 : memref<!tpu.dma_semaphore, #tpu.memory_space<semaphore_mem>>)
    %get3A_5 = arith.constant 1 : index
    %get3A_6 = memref.load %arg0[%get3A_5] : memref<64xi32, #tpu.memory_space<smem>>
    %dma_start3A_7 = arith.constant 0 : i32
    %dma_start3A_8 = tpu.memref_slice %arg3[%get3A_6, %dma_start3A_7] : memref<16384x4096xf32, #tpu.memory_space<any>> -> memref<1x4096xf32, #tpu.memory_space<any>>
    %dma_start3A_9 = arith.constant 1 : i32
    %dma_start3A_10 = arith.constant 0 : i32
    %dma_start3A_11 = tpu.memref_slice %arg1[%dma_start3A_9, %dma_start3A_10] : memref<64x4096xf32, #tpu.memory_space<vmem>> -> memref<1x4096xf32, #tpu.memory_space<vmem>>
    tpu.enqueue_dma source(%dma_start3A_11 : memref<1x4096xf32, #tpu.memory_space<vmem>>) target(%dma_start3A_8 : memref<1x4096xf32, #tpu.memory_space<any>>) target_semaphore(%arg4 : memref<!tpu.dma_semaphore, #tpu.memory_space<semaphore_mem>>)
    %get3A_12 = arith.constant 2 : index
    %get3A_13 = memref.load %arg0[%get3A_12] : memref<64xi32, #tpu.memory_space<smem>>
    %dma_start3A_14 = arith.constant 0 : i32
    %dma_start3A_15 = tpu.memref_slice %arg3[%get3A_13, %dma_start3A_14] : memref<16384x4096xf32, #tpu.memory_space<any>> -> memref<1x4096xf32, #tpu.memory_space<any>>
    %dma_start3A_16 = arith.constant 2 : i32
    %dma_start3A_17 = arith.constant 0 : i32
    %dma_start3A_18 = tpu.memref_slice %arg1[%dma_start3A_16, %dma_start3A_17] : memref<64x4096xf32, #tpu.memory_space<vmem>> -> memref<1x4096xf32, #tpu.memory_space<vmem>>
    tpu.enqueue_dma source(%dma_start3A_18 : memref<1x4096xf32, #tpu.memory_space<vmem>>) target(%dma_start3A_15 : memref<1x4096xf32, #tpu.memory_space<any>>) target_semaphore(%arg4 : memref<!tpu.dma_semaphore, #tpu.memory_space<semaphore_mem>>)
    %get3A_19 = arith.constant 3 : index
    %get3A_20 = memref.load %arg0[%get3A_19] : memref<64xi32, #tpu.memory_space<smem>>
    %dma_start3A_21 = arith.constant 0 : i32
    %dma_start3A_22 = tpu.memref_slice %arg3[%get3A_20, %dma_start3A_21] : memref<16384x4096xf32, #tpu.memory_space<any>> -> memref<1x4096xf32, #tpu.memory_space<any>>
    %dma_start3A_23 = arith.constant 3 : i32
    %dma_start3A_24 = arith.constant 0 : i32
    %dma_start3A_25 = tpu.memref_slice %arg1[%dma_start3A_23, %dma_start3A_24] : memref<64x4096xf32, #tpu.memory_space<vmem>> -> memref<1x4096xf32, #tpu.memory_space<vmem>>
    tpu.enqueue_dma source(%dma_start3A_25 : memref<1x4096xf32, #tpu.memory_space<vmem>>) target(%dma_start3A_22 : memref<1x4096xf32, #tpu.memory_space<any>>) target_semaphore(%arg4 : memref<!tpu.dma_semaphore, #tpu.memory_space<semaphore_mem>>)
    %get3A_26 = arith.constant 4 : index
    %get3A_27 = memref.load %arg0[%get3A_26] : memref<64xi32, #tpu.memory_space<smem>>
    %dma_start3A_28 = arith.constant 0 : i32
    %dma_start3A_29 = tpu.memref_slice %arg3[%get3A_27, %dma_start3A_28] : memref<16384x4096xf32, #tpu.memory_space<any>> -> memref<1x4096xf32, #tpu.memory_space<any>>
    %dma_start3A_30 = arith.constant 4 : i32
    %dma_start3A_31 = arith.constant 0 : i32
    %dma_start3A_32 = tpu.memref_slice %arg1[%dma_start3A_30, %dma_start3A_31] : memref<64x4096xf32, #tpu.memory_space<vmem>> -> memref<1x4096xf32, #tpu.memory_space<vmem>>
    tpu.enqueue_dma source(%dma_start3A_32 : memref<1x4096xf32, #tpu.memory_space<vmem>>) target(%dma_start3A_29 : memref<1x4096xf32, #tpu.memory_space<any>>) target_semaphore(%arg4 : memref<!tpu.dma_semaphore, #tpu.memory_space<semaphore_mem>>)
    %get3A_33 = arith.constant 5 : index
    %get3A_34 = memref.load %arg0[%get3A_33] : memref<64xi32, #tpu.memory_space<smem>>
    %dma_start3A_35 = arith.constant 0 : i32
    %dma_start3A_36 = tpu.memref_slice %arg3[%get3A_34, %dma_start3A_35] : memref<16384x4096xf32, #tpu.memory_space<any>> -> memref<1x4096xf32, #tpu.memory_space<any>>
    %dma_start3A_37 = arith.constant 5 : i32
    %dma_start3A_38 = arith.constant 0 : i32
    %dma_start3A_39 = tpu.memref_slice %arg1[%dma_start3A_37, %dma_start3A_38] : memref<64x4096xf32, #tpu.memory_space<vmem>> -> memref<1x4096xf32, #tpu.memory_space<vmem>>
    tpu.enqueue_dma source(%dma_start3A_39 : memref<1x4096xf32, #tpu.memory_space<vmem>>) target(%dma_start3A_36 : memref<1x4096xf32, #tpu.memory_space<any>>) target_semaphore(%arg4 : memref<!tpu.dma_semaphore, #tpu.memory_space<semaphore_mem>>)
    %get3A_40 = arith.constant 6 : index
    %get3A_41 = memref.load %arg0[%get3A_40] : memref<64xi32, #tpu.memory_space<smem>>
    %dma_start3A_42 = arith.constant 0 : i32
    %dma_start3A_43 = tpu.memref_slice %arg3[%get3A_41, %dma_start3A_42] : memref<16384x4096xf32, #tpu.memory_space<any>> -> memref<1x4096xf32, #tpu.memory_space<any>>
    %dma_start3A_44 = arith.constant 6 : i32
    %dma_start3A_45 = arith.constant 0 : i32
    %dma_start3A_46 = tpu.memref_slice %arg1[%dma_start3A_44, %dma_start3A_45] : memref<64x4096xf32, #tpu.memory_space<vmem>> -> memref<1x4096xf32, #tpu.memory_space<vmem>>
    tpu.enqueue_dma source(%dma_start3A_46 : memref<1x4096xf32, #tpu.memory_space<vmem>>) target(%dma_start3A_43 : memref<1x4096xf32, #tpu.memory_space<any>>) target_semaphore(%arg4 : memref<!tpu.dma_semaphore, #tpu.memory_space<semaphore_mem>>)
    %get3A_47 = arith.constant 7 : index
    %get3A_48 = memref.load %arg0[%get3A_47] : memref<64xi32, #tpu.memory_space<smem>>
    %dma_start3A_49 = arith.constant 0 : i32
    %dma_start3A_50 = tpu.memref_slice %arg3[%get3A_48, %dma_start3A_49] : memref<16384x4096xf32, #tpu.memory_space<any>> -> memref<1x4096xf32, #tpu.memory_space<any>>
    %dma_start3A_51 = arith.constant 7 : i32
    %dma_start3A_52 = arith.constant 0 : i32
    %dma_start3A_53 = tpu.memref_slice %arg1[%dma_start3A_51, %dma_start3A_52] : memref<64x4096xf32, #tpu.memory_space<vmem>> -> memref<1x4096xf32, #tpu.memory_space<vmem>>
    tpu.enqueue_dma source(%dma_start3A_53 : memref<1x4096xf32, #tpu.memory_space<vmem>>) target(%dma_start3A_50 : memref<1x4096xf32, #tpu.memory_space<any>>) target_semaphore(%arg4 : memref<!tpu.dma_semaphore, #tpu.memory_space<semaphore_mem>>)
    %get3A_54 = arith.constant 8 : index
    %get3A_55 = memref.load %arg0[%get3A_54] : memref<64xi32, #tpu.memory_space<smem>>
    %dma_start3A_56 = arith.constant 0 : i32
    %dma_start3A_57 = tpu.memref_slice %arg3[%get3A_55, %dma_start3A_56] : memref<16384x4096xf32, #tpu.memory_space<any>> -> memref<1x4096xf32, #tpu.memory_space<any>>
    %dma_start3A_58 = arith.constant 8 : i32
    %dma_start3A_59 = arith.constant 0 : i32
    %dma_start3A_60 = tpu.memref_slice %arg1[%dma_start3A_58, %dma_start3A_59] : memref<64x4096xf32, #tpu.memory_space<vmem>> -> memref<1x4096xf32, #tpu.memory_space<vmem>>
    tpu.enqueue_dma source(%dma_start3A_60 : memref<1x4096xf32, #tpu.memory_space<vmem>>) target(%dma_start3A_57 : memref<1x4096xf32, #tpu.memory_space<any>>) target_semaphore(%arg4 : memref<!tpu.dma_semaphore, #tpu.memory_space<semaphore_mem>>)
    %get3A_61 = arith.constant 9 : index
    %get3A_62 = memref.load %arg0[%get3A_61] : memref<64xi32, #tpu.memory_space<smem>>
    %dma_start3A_63 = arith.constant 0 : i32
    %dma_start3A_64 = tpu.memref_slice %arg3[%get3A_62, %dma_start3A_63] : memref<16384x4096xf32, #tpu.memory_space<any>> -> memref<1x4096xf32, #tpu.memory_space<any>>
    %dma_start3A_65 = arith.constant 9 : i32
    %dma_start3A_66 = arith.constant 0 : i32
    %dma_start3A_67 = tpu.memref_slice %arg1[%dma_start3A_65, %dma_start3A_66] : memref<64x4096xf32, #tpu.memory_space<vmem>> -> memref<1x4096xf32, #tpu.memory_space<vmem>>
    tpu.enqueue_dma source(%dma_start3A_67 : memref<1x4096xf32, #tpu.memory_space<vmem>>) target(%dma_start3A_64 : memref<1x4096xf32, #tpu.memory_space<any>>) target_semaphore(%arg4 : memref<!tpu.dma_semaphore, #tpu.memory_space<semaphore_mem>>)
    %get3A_68 = arith.constant 10 : index
    %get3A_69 = memref.load %arg0[%get3A_68] : memref<64xi32, #tpu.memory_space<smem>>
    %dma_start3A_70 = arith.constant 0 : i32
    %dma_start3A_71 = tpu.memref_slice %arg3[%get3A_69, %dma_start3A_70] : memref<16384x4096xf32, #tpu.memory_space<any>> -> memref<1x4096xf32, #tpu.memory_space<any>>
    %dma_start3A_72 = arith.constant 10 : i32
    %dma_start3A_73 = arith.constant 0 : i32
    %dma_start3A_74 = tpu.memref_slice %arg1[%dma_start3A_72, %dma_start3A_73] : memref<64x4096xf32, #tpu.memory_space<vmem>> -> memref<1x4096xf32, #tpu.memory_space<vmem>>
    tpu.enqueue_dma source(%dma_start3A_74 : memref<1x4096xf32, #tpu.memory_space<vmem>>) target(%dma_start3A_71 : memref<1x4096xf32, #tpu.memory_space<any>>) target_semaphore(%arg4 : memref<!tpu.dma_semaphore, #tpu.memory_space<semaphore_mem>>)
    %get3A_75 = arith.constant 11 : index
    %get3A_76 = memref.load %arg0[%get3A_75] : memref<64xi32, #tpu.memory_space<smem>>
    %dma_start3A_77 = arith.constant 0 : i32
    %dma_start3A_78 = tpu.memref_slice %arg3[%get3A_76, %dma_start3A_77] : memref<16384x4096xf32, #tpu.memory_space<any>> -> memref<1x4096xf32, #tpu.memory_space<any>>
    %dma_start3A_79 = arith.constant 11 : i32
    %dma_start3A_80 = arith.constant 0 : i32
    %dma_start3A_81 = tpu.memref_slice %arg1[%dma_start3A_79, %dma_start3A_80] : memref<64x4096xf32, #tpu.memory_space<vmem>> -> memref<1x4096xf32, #tpu.memory_space<vmem>>
    tpu.enqueue_dma source(%dma_start3A_81 : memref<1x4096xf32, #tpu.memory_space<vmem>>) target(%dma_start3A_78 : memref<1x4096xf32, #tpu.memory_space<any>>) target_semaphore(%arg4 : memref<!tpu.dma_semaphore, #tpu.memory_space<semaphore_mem>>)
    %get3A_82 = arith.constant 12 : index
    %get3A_83 = memref.load %arg0[%get3A_82] : memref<64xi32, #tpu.memory_space<smem>>
    %dma_start3A_84 = arith.constant 0 : i32
    %dma_start3A_85 = tpu.memref_slice %arg3[%get3A_83, %dma_start3A_84] : memref<16384x4096xf32, #tpu.memory_space<any>> -> memref<1x4096xf32, #tpu.memory_space<any>>
    %dma_start3A_86 = arith.constant 12 : i32
    %dma_start3A_87 = arith.constant 0 : i32
    %dma_start3A_88 = tpu.memref_slice %arg1[%dma_start3A_86, %dma_start3A_87] : memref<64x4096xf32, #tpu.memory_space<vmem>> -> memref<1x4096xf32, #tpu.memory_space<vmem>>
    tpu.enqueue_dma source(%dma_start3A_88 : memref<1x4096xf32, #tpu.memory_space<vmem>>) target(%dma_start3A_85 : memref<1x4096xf32, #tpu.memory_space<any>>) target_semaphore(%arg4 : memref<!tpu.dma_semaphore, #tpu.memory_space<semaphore_mem>>)
    %get3A_89 = arith.constant 13 : index
    %get3A_90 = memref.load %arg0[%get3A_89] : memref<64xi32, #tpu.memory_space<smem>>
    %dma_start3A_91 = arith.constant 0 : i32
    %dma_start3A_92 = tpu.memref_slice %arg3[%get3A_90, %dma_start3A_91] : memref<16384x4096xf32, #tpu.memory_space<any>> -> memref<1x4096xf32, #tpu.memory_space<any>>
    %dma_start3A_93 = arith.constant 13 : i32
    %dma_start3A_94 = arith.constant 0 : i32
    %dma_start3A_95 = tpu.memref_slice %arg1[%dma_start3A_93, %dma_start3A_94] : memref<64x4096xf32, #tpu.memory_space<vmem>> -> memref<1x4096xf32, #tpu.memory_space<vmem>>
    tpu.enqueue_dma source(%dma_start3A_95 : memref<1x4096xf32, #tpu.memory_space<vmem>>) target(%dma_start3A_92 : memref<1x4096xf32, #tpu.memory_space<any>>) target_semaphore(%arg4 : memref<!tpu.dma_semaphore, #tpu.memory_space<semaphore_mem>>)
    %get3A_96 = arith.constant 14 : index
    %get3A_97 = memref.load %arg0[%get3A_96] : memref<64xi32, #tpu.memory_space<smem>>
    %dma_start3A_98 = arith.constant 0 : i32
    %dma_start3A_99 = tpu.memref_slice %arg3[%get3A_97, %dma_start3A_98] : memref<16384x4096xf32, #tpu.memory_space<any>> -> memref<1x4096xf32, #tpu.memory_space<any>>
    %dma_start3A_100 = arith.constant 14 : i32
    %dma_start3A_101 = arith.constant 0 : i32
    %dma_start3A_102 = tpu.memref_slice %arg1[%dma_start3A_100, %dma_start3A_101] : memref<64x4096xf32, #tpu.memory_space<vmem>> -> memref<1x4096xf32, #tpu.memory_space<vmem>>
    tpu.enqueue_dma source(%dma_start3A_102 : memref<1x4096xf32, #tpu.memory_space<vmem>>) target(%dma_start3A_99 : memref<1x4096xf32, #tpu.memory_space<any>>) target_semaphore(%arg4 : memref<!tpu.dma_semaphore, #tpu.memory_space<semaphore_mem>>)
    %get3A_103 = arith.constant 15 : index
    %get3A_104 = memref.load %arg0[%get3A_103] : memref<64xi32, #tpu.memory_space<smem>>
    %dma_start3A_105 = arith.constant 0 : i32
    %dma_start3A_106 = tpu.memref_slice %arg3[%get3A_104, %dma_start3A_105] : memref<16384x4096xf32, #tpu.memory_space<any>> -> memref<1x4096xf32, #tpu.memory_space<any>>
    %dma_start3A_107 = arith.constant 15 : i32
    %dma_start3A_108 = arith.constant 0 : i32
    %dma_start3A_109 = tpu.memref_slice %arg1[%dma_start3A_107, %dma_start3A_108] : memref<64x4096xf32, #tpu.memory_space<vmem>> -> memref<1x4096xf32, #tpu.memory_space<vmem>>
    tpu.enqueue_dma source(%dma_start3A_109 : memref<1x4096xf32, #tpu.memory_space<vmem>>) target(%dma_start3A_106 : memref<1x4096xf32, #tpu.memory_space<any>>) target_semaphore(%arg4 : memref<!tpu.dma_semaphore, #tpu.memory_space<semaphore_mem>>)
    %get3A_110 = arith.constant 16 : index
    %get3A_111 = memref.load %arg0[%get3A_110] : memref<64xi32, #tpu.memory_space<smem>>
    %dma_start3A_112 = arith.constant 0 : i32
    %dma_start3A_113 = tpu.memref_slice %arg3[%get3A_111, %dma_start3A_112] : memref<16384x4096xf32, #tpu.memory_space<any>> -> memref<1x4096xf32, #tpu.memory_space<any>>
    %dma_start3A_114 = arith.constant 16 : i32
    %dma_start3A_115 = arith.constant 0 : i32
    %dma_start3A_116 = tpu.memref_slice %arg1[%dma_start3A_114, %dma_start3A_115] : memref<64x4096xf32, #tpu.memory_space<vmem>> -> memref<1x4096xf32, #tpu.memory_space<vmem>>
    tpu.enqueue_dma source(%dma_start3A_116 : memref<1x4096xf32, #tpu.memory_space<vmem>>) target(%dma_start3A_113 : memref<1x4096xf32, #tpu.memory_space<any>>) target_semaphore(%arg4 : memref<!tpu.dma_semaphore, #tpu.memory_space<semaphore_mem>>)
    %get3A_117 = arith.constant 17 : index
    %get3A_118 = memref.load %arg0[%get3A_117] : memref<64xi32, #tpu.memory_space<smem>>
    %dma_start3A_119 = arith.constant 0 : i32
    %dma_start3A_120 = tpu.memref_slice %arg3[%get3A_118, %dma_start3A_119] : memref<16384x4096xf32, #tpu.memory_space<any>> -> memref<1x4096xf32, #tpu.memory_space<any>>
    %dma_start3A_121 = arith.constant 17 : i32
    %dma_start3A_122 = arith.constant 0 : i32
    %dma_start3A_123 = tpu.memref_slice %arg1[%dma_start3A_121, %dma_start3A_122] : memref<64x4096xf32, #tpu.memory_space<vmem>> -> memref<1x4096xf32, #tpu.memory_space<vmem>>
    tpu.enqueue_dma source(%dma_start3A_123 : memref<1x4096xf32, #tpu.memory_space<vmem>>) target(%dma_start3A_120 : memref<1x4096xf32, #tpu.memory_space<any>>) target_semaphore(%arg4 : memref<!tpu.dma_semaphore, #tpu.memory_space<semaphore_mem>>)
    %get3A_124 = arith.constant 18 : index
    %get3A_125 = memref.load %arg0[%get3A_124] : memref<64xi32, #tpu.memory_space<smem>>
    %dma_start3A_126 = arith.constant 0 : i32
    %dma_start3A_127 = tpu.memref_slice %arg3[%get3A_125, %dma_start3A_126] : memref<16384x4096xf32, #tpu.memory_space<any>> -> memref<1x4096xf32, #tpu.memory_space<any>>
    %dma_start3A_128 = arith.constant 18 : i32
    %dma_start3A_129 = arith.constant 0 : i32
    %dma_start3A_130 = tpu.memref_slice %arg1[%dma_start3A_128, %dma_start3A_129] : memref<64x4096xf32, #tpu.memory_space<vmem>> -> memref<1x4096xf32, #tpu.memory_space<vmem>>
    tpu.enqueue_dma source(%dma_start3A_130 : memref<1x4096xf32, #tpu.memory_space<vmem>>) target(%dma_start3A_127 : memref<1x4096xf32, #tpu.memory_space<any>>) target_semaphore(%arg4 : memref<!tpu.dma_semaphore, #tpu.memory_space<semaphore_mem>>)
    %get3A_131 = arith.constant 19 : index
    %get3A_132 = memref.load %arg0[%get3A_131] : memref<64xi32, #tpu.memory_space<smem>>
    %dma_start3A_133 = arith.constant 0 : i32
    %dma_start3A_134 = tpu.memref_slice %arg3[%get3A_132, %dma_start3A_133] : memref<16384x4096xf32, #tpu.memory_space<any>> -> memref<1x4096xf32, #tpu.memory_space<any>>
    %dma_start3A_135 = arith.constant 19 : i32
    %dma_start3A_136 = arith.constant 0 : i32
    %dma_start3A_137 = tpu.memref_slice %arg1[%dma_start3A_135, %dma_start3A_136] : memref<64x4096xf32, #tpu.memory_space<vmem>> -> memref<1x4096xf32, #tpu.memory_space<vmem>>
    tpu.enqueue_dma source(%dma_start3A_137 : memref<1x4096xf32, #tpu.memory_space<vmem>>) target(%dma_start3A_134 : memref<1x4096xf32, #tpu.memory_space<any>>) target_semaphore(%arg4 : memref<!tpu.dma_semaphore, #tpu.memory_space<semaphore_mem>>)
    %get3A_138 = arith.constant 20 : index
    %get3A_139 = memref.load %arg0[%get3A_138] : memref<64xi32, #tpu.memory_space<smem>>
    %dma_start3A_140 = arith.constant 0 : i32
    %dma_start3A_141 = tpu.memref_slice %arg3[%get3A_139, %dma_start3A_140] : memref<16384x4096xf32, #tpu.memory_space<any>> -> memref<1x4096xf32, #tpu.memory_space<any>>
    %dma_start3A_142 = arith.constant 20 : i32
    %dma_start3A_143 = arith.constant 0 : i32
    %dma_start3A_144 = tpu.memref_slice %arg1[%dma_start3A_142, %dma_start3A_143] : memref<64x4096xf32, #tpu.memory_space<vmem>> -> memref<1x4096xf32, #tpu.memory_space<vmem>>
    tpu.enqueue_dma source(%dma_start3A_144 : memref<1x4096xf32, #tpu.memory_space<vmem>>) target(%dma_start3A_141 : memref<1x4096xf32, #tpu.memory_space<any>>) target_semaphore(%arg4 : memref<!tpu.dma_semaphore, #tpu.memory_space<semaphore_mem>>)
    %get3A_145 = arith.constant 21 : index
    %get3A_146 = memref.load %arg0[%get3A_145] : memref<64xi32, #tpu.memory_space<smem>>
    %dma_start3A_147 = arith.constant 0 : i32
    %dma_start3A_148 = tpu.memref_slice %arg3[%get3A_146, %dma_start3A_147] : memref<16384x4096xf32, #tpu.memory_space<any>> -> memref<1x4096xf32, #tpu.memory_space<any>>
    %dma_start3A_149 = arith.constant 21 : i32
    %dma_start3A_150 = arith.constant 0 : i32
    %dma_start3A_151 = tpu.memref_slice %arg1[%dma_start3A_149, %dma_start3A_150] : memref<64x4096xf32, #tpu.memory_space<vmem>> -> memref<1x4096xf32, #tpu.memory_space<vmem>>
    tpu.enqueue_dma source(%dma_start3A_151 : memref<1x4096xf32, #tpu.memory_space<vmem>>) target(%dma_start3A_148 : memref<1x4096xf32, #tpu.memory_space<any>>) target_semaphore(%arg4 : memref<!tpu.dma_semaphore, #tpu.memory_space<semaphore_mem>>)
    %get3A_152 = arith.constant 22 : index
    %get3A_153 = memref.load %arg0[%get3A_152] : memref<64xi32, #tpu.memory_space<smem>>
    %dma_start3A_154 = arith.constant 0 : i32
    %dma_start3A_155 = tpu.memref_slice %arg3[%get3A_153, %dma_start3A_154] : memref<16384x4096xf32, #tpu.memory_space<any>> -> memref<1x4096xf32, #tpu.memory_space<any>>
    %dma_start3A_156 = arith.constant 22 : i32
    %dma_start3A_157 = arith.constant 0 : i32
    %dma_start3A_158 = tpu.memref_slice %arg1[%dma_start3A_156, %dma_start3A_157] : memref<64x4096xf32, #tpu.memory_space<vmem>> -> memref<1x4096xf32, #tpu.memory_space<vmem>>
    tpu.enqueue_dma source(%dma_start3A_158 : memref<1x4096xf32, #tpu.memory_space<vmem>>) target(%dma_start3A_155 : memref<1x4096xf32, #tpu.memory_space<any>>) target_semaphore(%arg4 : memref<!tpu.dma_semaphore, #tpu.memory_space<semaphore_mem>>)
    %get3A_159 = arith.constant 23 : index
    %get3A_160 = memref.load %arg0[%get3A_159] : memref<64xi32, #tpu.memory_space<smem>>
    %dma_start3A_161 = arith.constant 0 : i32
    %dma_start3A_162 = tpu.memref_slice %arg3[%get3A_160, %dma_start3A_161] : memref<16384x4096xf32, #tpu.memory_space<any>> -> memref<1x4096xf32, #tpu.memory_space<any>>
    %dma_start3A_163 = arith.constant 23 : i32
    %dma_start3A_164 = arith.constant 0 : i32
    %dma_start3A_165 = tpu.memref_slice %arg1[%dma_start3A_163, %dma_start3A_164] : memref<64x4096xf32, #tpu.memory_space<vmem>> -> memref<1x4096xf32, #tpu.memory_space<vmem>>
    tpu.enqueue_dma source(%dma_start3A_165 : memref<1x4096xf32, #tpu.memory_space<vmem>>) target(%dma_start3A_162 : memref<1x4096xf32, #tpu.memory_space<any>>) target_semaphore(%arg4 : memref<!tpu.dma_semaphore, #tpu.memory_space<semaphore_mem>>)
    %get3A_166 = arith.constant 24 : index
    %get3A_167 = memref.load %arg0[%get3A_166] : memref<64xi32, #tpu.memory_space<smem>>
    %dma_start3A_168 = arith.constant 0 : i32
    %dma_start3A_169 = tpu.memref_slice %arg3[%get3A_167, %dma_start3A_168] : memref<16384x4096xf32, #tpu.memory_space<any>> -> memref<1x4096xf32, #tpu.memory_space<any>>
    %dma_start3A_170 = arith.constant 24 : i32
    %dma_start3A_171 = arith.constant 0 : i32
    %dma_start3A_172 = tpu.memref_slice %arg1[%dma_start3A_170, %dma_start3A_171] : memref<64x4096xf32, #tpu.memory_space<vmem>> -> memref<1x4096xf32, #tpu.memory_space<vmem>>
    tpu.enqueue_dma source(%dma_start3A_172 : memref<1x4096xf32, #tpu.memory_space<vmem>>) target(%dma_start3A_169 : memref<1x4096xf32, #tpu.memory_space<any>>) target_semaphore(%arg4 : memref<!tpu.dma_semaphore, #tpu.memory_space<semaphore_mem>>)
    %get3A_173 = arith.constant 25 : index
    %get3A_174 = memref.load %arg0[%get3A_173] : memref<64xi32, #tpu.memory_space<smem>>
    %dma_start3A_175 = arith.constant 0 : i32
    %dma_start3A_176 = tpu.memref_slice %arg3[%get3A_174, %dma_start3A_175] : memref<16384x4096xf32, #tpu.memory_space<any>> -> memref<1x4096xf32, #tpu.memory_space<any>>
    %dma_start3A_177 = arith.constant 25 : i32
    %dma_start3A_178 = arith.constant 0 : i32
    %dma_start3A_179 = tpu.memref_slice %arg1[%dma_start3A_177, %dma_start3A_178] : memref<64x4096xf32, #tpu.memory_space<vmem>> -> memref<1x4096xf32, #tpu.memory_space<vmem>>
    tpu.enqueue_dma source(%dma_start3A_179 : memref<1x4096xf32, #tpu.memory_space<vmem>>) target(%dma_start3A_176 : memref<1x4096xf32, #tpu.memory_space<any>>) target_semaphore(%arg4 : memref<!tpu.dma_semaphore, #tpu.memory_space<semaphore_mem>>)
    %get3A_180 = arith.constant 26 : index
    %get3A_181 = memref.load %arg0[%get3A_180] : memref<64xi32, #tpu.memory_space<smem>>
    %dma_start3A_182 = arith.constant 0 : i32
    %dma_start3A_183 = tpu.memref_slice %arg3[%get3A_181, %dma_start3A_182] : memref<16384x4096xf32, #tpu.memory_space<any>> -> memref<1x4096xf32, #tpu.memory_space<any>>
    %dma_start3A_184 = arith.constant 26 : i32
    %dma_start3A_185 = arith.constant 0 : i32
    %dma_start3A_186 = tpu.memref_slice %arg1[%dma_start3A_184, %dma_start3A_185] : memref<64x4096xf32, #tpu.memory_space<vmem>> -> memref<1x4096xf32, #tpu.memory_space<vmem>>
    tpu.enqueue_dma source(%dma_start3A_186 : memref<1x4096xf32, #tpu.memory_space<vmem>>) target(%dma_start3A_183 : memref<1x4096xf32, #tpu.memory_space<any>>) target_semaphore(%arg4 : memref<!tpu.dma_semaphore, #tpu.memory_space<semaphore_mem>>)
    %get3A_187 = arith.constant 27 : index
    %get3A_188 = memref.load %arg0[%get3A_187] : memref<64xi32, #tpu.memory_space<smem>>
    %dma_start3A_189 = arith.constant 0 : i32
    %dma_start3A_190 = tpu.memref_slice %arg3[%get3A_188, %dma_start3A_189] : memref<16384x4096xf32, #tpu.memory_space<any>> -> memref<1x4096xf32, #tpu.memory_space<any>>
    %dma_start3A_191 = arith.constant 27 : i32
    %dma_start3A_192 = arith.constant 0 : i32
    %dma_start3A_193 = tpu.memref_slice %arg1[%dma_start3A_191, %dma_start3A_192] : memref<64x4096xf32, #tpu.memory_space<vmem>> -> memref<1x4096xf32, #tpu.memory_space<vmem>>
    tpu.enqueue_dma source(%dma_start3A_193 : memref<1x4096xf32, #tpu.memory_space<vmem>>) target(%dma_start3A_190 : memref<1x4096xf32, #tpu.memory_space<any>>) target_semaphore(%arg4 : memref<!tpu.dma_semaphore, #tpu.memory_space<semaphore_mem>>)
    %get3A_194 = arith.constant 28 : index
    %get3A_195 = memref.load %arg0[%get3A_194] : memref<64xi32, #tpu.memory_space<smem>>
    %dma_start3A_196 = arith.constant 0 : i32
    %dma_start3A_197 = tpu.memref_slice %arg3[%get3A_195, %dma_start3A_196] : memref<16384x4096xf32, #tpu.memory_space<any>> -> memref<1x4096xf32, #tpu.memory_space<any>>
    %dma_start3A_198 = arith.constant 28 : i32
    %dma_start3A_199 = arith.constant 0 : i32
    %dma_start3A_200 = tpu.memref_slice %arg1[%dma_start3A_198, %dma_start3A_199] : memref<64x4096xf32, #tpu.memory_space<vmem>> -> memref<1x4096xf32, #tpu.memory_space<vmem>>
    tpu.enqueue_dma source(%dma_start3A_200 : memref<1x4096xf32, #tpu.memory_space<vmem>>) target(%dma_start3A_197 : memref<1x4096xf32, #tpu.memory_space<any>>) target_semaphore(%arg4 : memref<!tpu.dma_semaphore, #tpu.memory_space<semaphore_mem>>)
    %get3A_201 = arith.constant 29 : index
    %get3A_202 = memref.load %arg0[%get3A_201] : memref<64xi32, #tpu.memory_space<smem>>
    %dma_start3A_203 = arith.constant 0 : i32
    %dma_start3A_204 = tpu.memref_slice %arg3[%get3A_202, %dma_start3A_203] : memref<16384x4096xf32, #tpu.memory_space<any>> -> memref<1x4096xf32, #tpu.memory_space<any>>
    %dma_start3A_205 = arith.constant 29 : i32
    %dma_start3A_206 = arith.constant 0 : i32
    %dma_start3A_207 = tpu.memref_slice %arg1[%dma_start3A_205, %dma_start3A_206] : memref<64x4096xf32, #tpu.memory_space<vmem>> -> memref<1x4096xf32, #tpu.memory_space<vmem>>
    tpu.enqueue_dma source(%dma_start3A_207 : memref<1x4096xf32, #tpu.memory_space<vmem>>) target(%dma_start3A_204 : memref<1x4096xf32, #tpu.memory_space<any>>) target_semaphore(%arg4 : memref<!tpu.dma_semaphore, #tpu.memory_space<semaphore_mem>>)
    %get3A_208 = arith.constant 30 : index
    %get3A_209 = memref.load %arg0[%get3A_208] : memref<64xi32, #tpu.memory_space<smem>>
    %dma_start3A_210 = arith.constant 0 : i32
    %dma_start3A_211 = tpu.memref_slice %arg3[%get3A_209, %dma_start3A_210] : memref<16384x4096xf32, #tpu.memory_space<any>> -> memref<1x4096xf32, #tpu.memory_space<any>>
    %dma_start3A_212 = arith.constant 30 : i32
    %dma_start3A_213 = arith.constant 0 : i32
    %dma_start3A_214 = tpu.memref_slice %arg1[%dma_start3A_212, %dma_start3A_213] : memref<64x4096xf32, #tpu.memory_space<vmem>> -> memref<1x4096xf32, #tpu.memory_space<vmem>>
    tpu.enqueue_dma source(%dma_start3A_214 : memref<1x4096xf32, #tpu.memory_space<vmem>>) target(%dma_start3A_211 : memref<1x4096xf32, #tpu.memory_space<any>>) target_semaphore(%arg4 : memref<!tpu.dma_semaphore, #tpu.memory_space<semaphore_mem>>)
    %get3A_215 = arith.constant 31 : index
    %get3A_216 = memref.load %arg0[%get3A_215] : memref<64xi32, #tpu.memory_space<smem>>
    %dma_start3A_217 = arith.constant 0 : i32
    %dma_start3A_218 = tpu.memref_slice %arg3[%get3A_216, %dma_start3A_217] : memref<16384x4096xf32, #tpu.memory_space<any>> -> memref<1x4096xf32, #tpu.memory_space<any>>
    %dma_start3A_219 = arith.constant 31 : i32
    %dma_start3A_220 = arith.constant 0 : i32
    %dma_start3A_221 = tpu.memref_slice %arg1[%dma_start3A_219, %dma_start3A_220] : memref<64x4096xf32, #tpu.memory_space<vmem>> -> memref<1x4096xf32, #tpu.memory_space<vmem>>
    tpu.enqueue_dma source(%dma_start3A_221 : memref<1x4096xf32, #tpu.memory_space<vmem>>) target(%dma_start3A_218 : memref<1x4096xf32, #tpu.memory_space<any>>) target_semaphore(%arg4 : memref<!tpu.dma_semaphore, #tpu.memory_space<semaphore_mem>>)
    %get3A_222 = arith.constant 32 : index
    %get3A_223 = memref.load %arg0[%get3A_222] : memref<64xi32, #tpu.memory_space<smem>>
    %dma_start3A_224 = arith.constant 0 : i32
    %dma_start3A_225 = tpu.memref_slice %arg3[%get3A_223, %dma_start3A_224] : memref<16384x4096xf32, #tpu.memory_space<any>> -> memref<1x4096xf32, #tpu.memory_space<any>>
    %dma_start3A_226 = arith.constant 32 : i32
    %dma_start3A_227 = arith.constant 0 : i32
    %dma_start3A_228 = tpu.memref_slice %arg1[%dma_start3A_226, %dma_start3A_227] : memref<64x4096xf32, #tpu.memory_space<vmem>> -> memref<1x4096xf32, #tpu.memory_space<vmem>>
    tpu.enqueue_dma source(%dma_start3A_228 : memref<1x4096xf32, #tpu.memory_space<vmem>>) target(%dma_start3A_225 : memref<1x4096xf32, #tpu.memory_space<any>>) target_semaphore(%arg4 : memref<!tpu.dma_semaphore, #tpu.memory_space<semaphore_mem>>)
    %get3A_229 = arith.constant 33 : index
    %get3A_230 = memref.load %arg0[%get3A_229] : memref<64xi32, #tpu.memory_space<smem>>
    %dma_start3A_231 = arith.constant 0 : i32
    %dma_start3A_232 = tpu.memref_slice %arg3[%get3A_230, %dma_start3A_231] : memref<16384x4096xf32, #tpu.memory_space<any>> -> memref<1x4096xf32, #tpu.memory_space<any>>
    %dma_start3A_233 = arith.constant 33 : i32
    %dma_start3A_234 = arith.constant 0 : i32
    %dma_start3A_235 = tpu.memref_slice %arg1[%dma_start3A_233, %dma_start3A_234] : memref<64x4096xf32, #tpu.memory_space<vmem>> -> memref<1x4096xf32, #tpu.memory_space<vmem>>
    tpu.enqueue_dma source(%dma_start3A_235 : memref<1x4096xf32, #tpu.memory_space<vmem>>) target(%dma_start3A_232 : memref<1x4096xf32, #tpu.memory_space<any>>) target_semaphore(%arg4 : memref<!tpu.dma_semaphore, #tpu.memory_space<semaphore_mem>>)
    %get3A_236 = arith.constant 34 : index
    %get3A_237 = memref.load %arg0[%get3A_236] : memref<64xi32, #tpu.memory_space<smem>>
    %dma_start3A_238 = arith.constant 0 : i32
    %dma_start3A_239 = tpu.memref_slice %arg3[%get3A_237, %dma_start3A_238] : memref<16384x4096xf32, #tpu.memory_space<any>> -> memref<1x4096xf32, #tpu.memory_space<any>>
    %dma_start3A_240 = arith.constant 34 : i32
    %dma_start3A_241 = arith.constant 0 : i32
    %dma_start3A_242 = tpu.memref_slice %arg1[%dma_start3A_240, %dma_start3A_241] : memref<64x4096xf32, #tpu.memory_space<vmem>> -> memref<1x4096xf32, #tpu.memory_space<vmem>>
    tpu.enqueue_dma source(%dma_start3A_242 : memref<1x4096xf32, #tpu.memory_space<vmem>>) target(%dma_start3A_239 : memref<1x4096xf32, #tpu.memory_space<any>>) target_semaphore(%arg4 : memref<!tpu.dma_semaphore, #tpu.memory_space<semaphore_mem>>)
    %get3A_243 = arith.constant 35 : index
    %get3A_244 = memref.load %arg0[%get3A_243] : memref<64xi32, #tpu.memory_space<smem>>
    %dma_start3A_245 = arith.constant 0 : i32
    %dma_start3A_246 = tpu.memref_slice %arg3[%get3A_244, %dma_start3A_245] : memref<16384x4096xf32, #tpu.memory_space<any>> -> memref<1x4096xf32, #tpu.memory_space<any>>
    %dma_start3A_247 = arith.constant 35 : i32
    %dma_start3A_248 = arith.constant 0 : i32
    %dma_start3A_249 = tpu.memref_slice %arg1[%dma_start3A_247, %dma_start3A_248] : memref<64x4096xf32, #tpu.memory_space<vmem>> -> memref<1x4096xf32, #tpu.memory_space<vmem>>
    tpu.enqueue_dma source(%dma_start3A_249 : memref<1x4096xf32, #tpu.memory_space<vmem>>) target(%dma_start3A_246 : memref<1x4096xf32, #tpu.memory_space<any>>) target_semaphore(%arg4 : memref<!tpu.dma_semaphore, #tpu.memory_space<semaphore_mem>>)
    %get3A_250 = arith.constant 36 : index
    %get3A_251 = memref.load %arg0[%get3A_250] : memref<64xi32, #tpu.memory_space<smem>>
    %dma_start3A_252 = arith.constant 0 : i32
    %dma_start3A_253 = tpu.memref_slice %arg3[%get3A_251, %dma_start3A_252] : memref<16384x4096xf32, #tpu.memory_space<any>> -> memref<1x4096xf32, #tpu.memory_space<any>>
    %dma_start3A_254 = arith.constant 36 : i32
    %dma_start3A_255 = arith.constant 0 : i32
    %dma_start3A_256 = tpu.memref_slice %arg1[%dma_start3A_254, %dma_start3A_255] : memref<64x4096xf32, #tpu.memory_space<vmem>> -> memref<1x4096xf32, #tpu.memory_space<vmem>>
    tpu.enqueue_dma source(%dma_start3A_256 : memref<1x4096xf32, #tpu.memory_space<vmem>>) target(%dma_start3A_253 : memref<1x4096xf32, #tpu.memory_space<any>>) target_semaphore(%arg4 : memref<!tpu.dma_semaphore, #tpu.memory_space<semaphore_mem>>)
    %get3A_257 = arith.constant 37 : index
    %get3A_258 = memref.load %arg0[%get3A_257] : memref<64xi32, #tpu.memory_space<smem>>
    %dma_start3A_259 = arith.constant 0 : i32
    %dma_start3A_260 = tpu.memref_slice %arg3[%get3A_258, %dma_start3A_259] : memref<16384x4096xf32, #tpu.memory_space<any>> -> memref<1x4096xf32, #tpu.memory_space<any>>
    %dma_start3A_261 = arith.constant 37 : i32
    %dma_start3A_262 = arith.constant 0 : i32
    %dma_start3A_263 = tpu.memref_slice %arg1[%dma_start3A_261, %dma_start3A_262] : memref<64x4096xf32, #tpu.memory_space<vmem>> -> memref<1x4096xf32, #tpu.memory_space<vmem>>
    tpu.enqueue_dma source(%dma_start3A_263 : memref<1x4096xf32, #tpu.memory_space<vmem>>) target(%dma_start3A_260 : memref<1x4096xf32, #tpu.memory_space<any>>) target_semaphore(%arg4 : memref<!tpu.dma_semaphore, #tpu.memory_space<semaphore_mem>>)
    %get3A_264 = arith.constant 38 : index
    %get3A_265 = memref.load %arg0[%get3A_264] : memref<64xi32, #tpu.memory_space<smem>>
    %dma_start3A_266 = arith.constant 0 : i32
    %dma_start3A_267 = tpu.memref_slice %arg3[%get3A_265, %dma_start3A_266] : memref<16384x4096xf32, #tpu.memory_space<any>> -> memref<1x4096xf32, #tpu.memory_space<any>>
    %dma_start3A_268 = arith.constant 38 : i32
    %dma_start3A_269 = arith.constant 0 : i32
    %dma_start3A_270 = tpu.memref_slice %arg1[%dma_start3A_268, %dma_start3A_269] : memref<64x4096xf32, #tpu.memory_space<vmem>> -> memref<1x4096xf32, #tpu.memory_space<vmem>>
    tpu.enqueue_dma source(%dma_start3A_270 : memref<1x4096xf32, #tpu.memory_space<vmem>>) target(%dma_start3A_267 : memref<1x4096xf32, #tpu.memory_space<any>>) target_semaphore(%arg4 : memref<!tpu.dma_semaphore, #tpu.memory_space<semaphore_mem>>)
    %get3A_271 = arith.constant 39 : index
    %get3A_272 = memref.load %arg0[%get3A_271] : memref<64xi32, #tpu.memory_space<smem>>
    %dma_start3A_273 = arith.constant 0 : i32
    %dma_start3A_274 = tpu.memref_slice %arg3[%get3A_272, %dma_start3A_273] : memref<16384x4096xf32, #tpu.memory_space<any>> -> memref<1x4096xf32, #tpu.memory_space<any>>
    %dma_start3A_275 = arith.constant 39 : i32
    %dma_start3A_276 = arith.constant 0 : i32
    %dma_start3A_277 = tpu.memref_slice %arg1[%dma_start3A_275, %dma_start3A_276] : memref<64x4096xf32, #tpu.memory_space<vmem>> -> memref<1x4096xf32, #tpu.memory_space<vmem>>
    tpu.enqueue_dma source(%dma_start3A_277 : memref<1x4096xf32, #tpu.memory_space<vmem>>) target(%dma_start3A_274 : memref<1x4096xf32, #tpu.memory_space<any>>) target_semaphore(%arg4 : memref<!tpu.dma_semaphore, #tpu.memory_space<semaphore_mem>>)
    %get3A_278 = arith.constant 40 : index
    %get3A_279 = memref.load %arg0[%get3A_278] : memref<64xi32, #tpu.memory_space<smem>>
    %dma_start3A_280 = arith.constant 0 : i32
    %dma_start3A_281 = tpu.memref_slice %arg3[%get3A_279, %dma_start3A_280] : memref<16384x4096xf32, #tpu.memory_space<any>> -> memref<1x4096xf32, #tpu.memory_space<any>>
    %dma_start3A_282 = arith.constant 40 : i32
    %dma_start3A_283 = arith.constant 0 : i32
    %dma_start3A_284 = tpu.memref_slice %arg1[%dma_start3A_282, %dma_start3A_283] : memref<64x4096xf32, #tpu.memory_space<vmem>> -> memref<1x4096xf32, #tpu.memory_space<vmem>>
    tpu.enqueue_dma source(%dma_start3A_284 : memref<1x4096xf32, #tpu.memory_space<vmem>>) target(%dma_start3A_281 : memref<1x4096xf32, #tpu.memory_space<any>>) target_semaphore(%arg4 : memref<!tpu.dma_semaphore, #tpu.memory_space<semaphore_mem>>)
    %get3A_285 = arith.constant 41 : index
    %get3A_286 = memref.load %arg0[%get3A_285] : memref<64xi32, #tpu.memory_space<smem>>
    %dma_start3A_287 = arith.constant 0 : i32
    %dma_start3A_288 = tpu.memref_slice %arg3[%get3A_286, %dma_start3A_287] : memref<16384x4096xf32, #tpu.memory_space<any>> -> memref<1x4096xf32, #tpu.memory_space<any>>
    %dma_start3A_289 = arith.constant 41 : i32
    %dma_start3A_290 = arith.constant 0 : i32
    %dma_start3A_291 = tpu.memref_slice %arg1[%dma_start3A_289, %dma_start3A_290] : memref<64x4096xf32, #tpu.memory_space<vmem>> -> memref<1x4096xf32, #tpu.memory_space<vmem>>
    tpu.enqueue_dma source(%dma_start3A_291 : memref<1x4096xf32, #tpu.memory_space<vmem>>) target(%dma_start3A_288 : memref<1x4096xf32, #tpu.memory_space<any>>) target_semaphore(%arg4 : memref<!tpu.dma_semaphore, #tpu.memory_space<semaphore_mem>>)
    %get3A_292 = arith.constant 42 : index
    %get3A_293 = memref.load %arg0[%get3A_292] : memref<64xi32, #tpu.memory_space<smem>>
    %dma_start3A_294 = arith.constant 0 : i32
    %dma_start3A_295 = tpu.memref_slice %arg3[%get3A_293, %dma_start3A_294] : memref<16384x4096xf32, #tpu.memory_space<any>> -> memref<1x4096xf32, #tpu.memory_space<any>>
    %dma_start3A_296 = arith.constant 42 : i32
    %dma_start3A_297 = arith.constant 0 : i32
    %dma_start3A_298 = tpu.memref_slice %arg1[%dma_start3A_296, %dma_start3A_297] : memref<64x4096xf32, #tpu.memory_space<vmem>> -> memref<1x4096xf32, #tpu.memory_space<vmem>>
    tpu.enqueue_dma source(%dma_start3A_298 : memref<1x4096xf32, #tpu.memory_space<vmem>>) target(%dma_start3A_295 : memref<1x4096xf32, #tpu.memory_space<any>>) target_semaphore(%arg4 : memref<!tpu.dma_semaphore, #tpu.memory_space<semaphore_mem>>)
    %get3A_299 = arith.constant 43 : index
    %get3A_300 = memref.load %arg0[%get3A_299] : memref<64xi32, #tpu.memory_space<smem>>
    %dma_start3A_301 = arith.constant 0 : i32
    %dma_start3A_302 = tpu.memref_slice %arg3[%get3A_300, %dma_start3A_301] : memref<16384x4096xf32, #tpu.memory_space<any>> -> memref<1x4096xf32, #tpu.memory_space<any>>
    %dma_start3A_303 = arith.constant 43 : i32
    %dma_start3A_304 = arith.constant 0 : i32
    %dma_start3A_305 = tpu.memref_slice %arg1[%dma_start3A_303, %dma_start3A_304] : memref<64x4096xf32, #tpu.memory_space<vmem>> -> memref<1x4096xf32, #tpu.memory_space<vmem>>
    tpu.enqueue_dma source(%dma_start3A_305 : memref<1x4096xf32, #tpu.memory_space<vmem>>) target(%dma_start3A_302 : memref<1x4096xf32, #tpu.memory_space<any>>) target_semaphore(%arg4 : memref<!tpu.dma_semaphore, #tpu.memory_space<semaphore_mem>>)
    %get3A_306 = arith.constant 44 : index
    %get3A_307 = memref.load %arg0[%get3A_306] : memref<64xi32, #tpu.memory_space<smem>>
    %dma_start3A_308 = arith.constant 0 : i32
    %dma_start3A_309 = tpu.memref_slice %arg3[%get3A_307, %dma_start3A_308] : memref<16384x4096xf32, #tpu.memory_space<any>> -> memref<1x4096xf32, #tpu.memory_space<any>>
    %dma_start3A_310 = arith.constant 44 : i32
    %dma_start3A_311 = arith.constant 0 : i32
    %dma_start3A_312 = tpu.memref_slice %arg1[%dma_start3A_310, %dma_start3A_311] : memref<64x4096xf32, #tpu.memory_space<vmem>> -> memref<1x4096xf32, #tpu.memory_space<vmem>>
    tpu.enqueue_dma source(%dma_start3A_312 : memref<1x4096xf32, #tpu.memory_space<vmem>>) target(%dma_start3A_309 : memref<1x4096xf32, #tpu.memory_space<any>>) target_semaphore(%arg4 : memref<!tpu.dma_semaphore, #tpu.memory_space<semaphore_mem>>)
    %get3A_313 = arith.constant 45 : index
    %get3A_314 = memref.load %arg0[%get3A_313] : memref<64xi32, #tpu.memory_space<smem>>
    %dma_start3A_315 = arith.constant 0 : i32
    %dma_start3A_316 = tpu.memref_slice %arg3[%get3A_314, %dma_start3A_315] : memref<16384x4096xf32, #tpu.memory_space<any>> -> memref<1x4096xf32, #tpu.memory_space<any>>
    %dma_start3A_317 = arith.constant 45 : i32
    %dma_start3A_318 = arith.constant 0 : i32
    %dma_start3A_319 = tpu.memref_slice %arg1[%dma_start3A_317, %dma_start3A_318] : memref<64x4096xf32, #tpu.memory_space<vmem>> -> memref<1x4096xf32, #tpu.memory_space<vmem>>
    tpu.enqueue_dma source(%dma_start3A_319 : memref<1x4096xf32, #tpu.memory_space<vmem>>) target(%dma_start3A_316 : memref<1x4096xf32, #tpu.memory_space<any>>) target_semaphore(%arg4 : memref<!tpu.dma_semaphore, #tpu.memory_space<semaphore_mem>>)
    %get3A_320 = arith.constant 46 : index
    %get3A_321 = memref.load %arg0[%get3A_320] : memref<64xi32, #tpu.memory_space<smem>>
    %dma_start3A_322 = arith.constant 0 : i32
    %dma_start3A_323 = tpu.memref_slice %arg3[%get3A_321, %dma_start3A_322] : memref<16384x4096xf32, #tpu.memory_space<any>> -> memref<1x4096xf32, #tpu.memory_space<any>>
    %dma_start3A_324 = arith.constant 46 : i32
    %dma_start3A_325 = arith.constant 0 : i32
    %dma_start3A_326 = tpu.memref_slice %arg1[%dma_start3A_324, %dma_start3A_325] : memref<64x4096xf32, #tpu.memory_space<vmem>> -> memref<1x4096xf32, #tpu.memory_space<vmem>>
    tpu.enqueue_dma source(%dma_start3A_326 : memref<1x4096xf32, #tpu.memory_space<vmem>>) target(%dma_start3A_323 : memref<1x4096xf32, #tpu.memory_space<any>>) target_semaphore(%arg4 : memref<!tpu.dma_semaphore, #tpu.memory_space<semaphore_mem>>)
    %get3A_327 = arith.constant 47 : index
    %get3A_328 = memref.load %arg0[%get3A_327] : memref<64xi32, #tpu.memory_space<smem>>
    %dma_start3A_329 = arith.constant 0 : i32
    %dma_start3A_330 = tpu.memref_slice %arg3[%get3A_328, %dma_start3A_329] : memref<16384x4096xf32, #tpu.memory_space<any>> -> memref<1x4096xf32, #tpu.memory_space<any>>
    %dma_start3A_331 = arith.constant 47 : i32
    %dma_start3A_332 = arith.constant 0 : i32
    %dma_start3A_333 = tpu.memref_slice %arg1[%dma_start3A_331, %dma_start3A_332] : memref<64x4096xf32, #tpu.memory_space<vmem>> -> memref<1x4096xf32, #tpu.memory_space<vmem>>
    tpu.enqueue_dma source(%dma_start3A_333 : memref<1x4096xf32, #tpu.memory_space<vmem>>) target(%dma_start3A_330 : memref<1x4096xf32, #tpu.memory_space<any>>) target_semaphore(%arg4 : memref<!tpu.dma_semaphore, #tpu.memory_space<semaphore_mem>>)
    %get3A_334 = arith.constant 48 : index
    %get3A_335 = memref.load %arg0[%get3A_334] : memref<64xi32, #tpu.memory_space<smem>>
    %dma_start3A_336 = arith.constant 0 : i32
    %dma_start3A_337 = tpu.memref_slice %arg3[%get3A_335, %dma_start3A_336] : memref<16384x4096xf32, #tpu.memory_space<any>> -> memref<1x4096xf32, #tpu.memory_space<any>>
    %dma_start3A_338 = arith.constant 48 : i32
    %dma_start3A_339 = arith.constant 0 : i32
    %dma_start3A_340 = tpu.memref_slice %arg1[%dma_start3A_338, %dma_start3A_339] : memref<64x4096xf32, #tpu.memory_space<vmem>> -> memref<1x4096xf32, #tpu.memory_space<vmem>>
    tpu.enqueue_dma source(%dma_start3A_340 : memref<1x4096xf32, #tpu.memory_space<vmem>>) target(%dma_start3A_337 : memref<1x4096xf32, #tpu.memory_space<any>>) target_semaphore(%arg4 : memref<!tpu.dma_semaphore, #tpu.memory_space<semaphore_mem>>)
    %get3A_341 = arith.constant 49 : index
    %get3A_342 = memref.load %arg0[%get3A_341] : memref<64xi32, #tpu.memory_space<smem>>
    %dma_start3A_343 = arith.constant 0 : i32
    %dma_start3A_344 = tpu.memref_slice %arg3[%get3A_342, %dma_start3A_343] : memref<16384x4096xf32, #tpu.memory_space<any>> -> memref<1x4096xf32, #tpu.memory_space<any>>
    %dma_start3A_345 = arith.constant 49 : i32
    %dma_start3A_346 = arith.constant 0 : i32
    %dma_start3A_347 = tpu.memref_slice %arg1[%dma_start3A_345, %dma_start3A_346] : memref<64x4096xf32, #tpu.memory_space<vmem>> -> memref<1x4096xf32, #tpu.memory_space<vmem>>
    tpu.enqueue_dma source(%dma_start3A_347 : memref<1x4096xf32, #tpu.memory_space<vmem>>) target(%dma_start3A_344 : memref<1x4096xf32, #tpu.memory_space<any>>) target_semaphore(%arg4 : memref<!tpu.dma_semaphore, #tpu.memory_space<semaphore_mem>>)
    %get3A_348 = arith.constant 50 : index
    %get3A_349 = memref.load %arg0[%get3A_348] : memref<64xi32, #tpu.memory_space<smem>>
    %dma_start3A_350 = arith.constant 0 : i32
    %dma_start3A_351 = tpu.memref_slice %arg3[%get3A_349, %dma_start3A_350] : memref<16384x4096xf32, #tpu.memory_space<any>> -> memref<1x4096xf32, #tpu.memory_space<any>>
    %dma_start3A_352 = arith.constant 50 : i32
    %dma_start3A_353 = arith.constant 0 : i32
    %dma_start3A_354 = tpu.memref_slice %arg1[%dma_start3A_352, %dma_start3A_353] : memref<64x4096xf32, #tpu.memory_space<vmem>> -> memref<1x4096xf32, #tpu.memory_space<vmem>>
    tpu.enqueue_dma source(%dma_start3A_354 : memref<1x4096xf32, #tpu.memory_space<vmem>>) target(%dma_start3A_351 : memref<1x4096xf32, #tpu.memory_space<any>>) target_semaphore(%arg4 : memref<!tpu.dma_semaphore, #tpu.memory_space<semaphore_mem>>)
    %get3A_355 = arith.constant 51 : index
    %get3A_356 = memref.load %arg0[%get3A_355] : memref<64xi32, #tpu.memory_space<smem>>
    %dma_start3A_357 = arith.constant 0 : i32
    %dma_start3A_358 = tpu.memref_slice %arg3[%get3A_356, %dma_start3A_357] : memref<16384x4096xf32, #tpu.memory_space<any>> -> memref<1x4096xf32, #tpu.memory_space<any>>
    %dma_start3A_359 = arith.constant 51 : i32
    %dma_start3A_360 = arith.constant 0 : i32
    %dma_start3A_361 = tpu.memref_slice %arg1[%dma_start3A_359, %dma_start3A_360] : memref<64x4096xf32, #tpu.memory_space<vmem>> -> memref<1x4096xf32, #tpu.memory_space<vmem>>
    tpu.enqueue_dma source(%dma_start3A_361 : memref<1x4096xf32, #tpu.memory_space<vmem>>) target(%dma_start3A_358 : memref<1x4096xf32, #tpu.memory_space<any>>) target_semaphore(%arg4 : memref<!tpu.dma_semaphore, #tpu.memory_space<semaphore_mem>>)
    %get3A_362 = arith.constant 52 : index
    %get3A_363 = memref.load %arg0[%get3A_362] : memref<64xi32, #tpu.memory_space<smem>>
    %dma_start3A_364 = arith.constant 0 : i32
    %dma_start3A_365 = tpu.memref_slice %arg3[%get3A_363, %dma_start3A_364] : memref<16384x4096xf32, #tpu.memory_space<any>> -> memref<1x4096xf32, #tpu.memory_space<any>>
    %dma_start3A_366 = arith.constant 52 : i32
    %dma_start3A_367 = arith.constant 0 : i32
    %dma_start3A_368 = tpu.memref_slice %arg1[%dma_start3A_366, %dma_start3A_367] : memref<64x4096xf32, #tpu.memory_space<vmem>> -> memref<1x4096xf32, #tpu.memory_space<vmem>>
    tpu.enqueue_dma source(%dma_start3A_368 : memref<1x4096xf32, #tpu.memory_space<vmem>>) target(%dma_start3A_365 : memref<1x4096xf32, #tpu.memory_space<any>>) target_semaphore(%arg4 : memref<!tpu.dma_semaphore, #tpu.memory_space<semaphore_mem>>)
    %get3A_369 = arith.constant 53 : index
    %get3A_370 = memref.load %arg0[%get3A_369] : memref<64xi32, #tpu.memory_space<smem>>
    %dma_start3A_371 = arith.constant 0 : i32
    %dma_start3A_372 = tpu.memref_slice %arg3[%get3A_370, %dma_start3A_371] : memref<16384x4096xf32, #tpu.memory_space<any>> -> memref<1x4096xf32, #tpu.memory_space<any>>
    %dma_start3A_373 = arith.constant 53 : i32
    %dma_start3A_374 = arith.constant 0 : i32
    %dma_start3A_375 = tpu.memref_slice %arg1[%dma_start3A_373, %dma_start3A_374] : memref<64x4096xf32, #tpu.memory_space<vmem>> -> memref<1x4096xf32, #tpu.memory_space<vmem>>
    tpu.enqueue_dma source(%dma_start3A_375 : memref<1x4096xf32, #tpu.memory_space<vmem>>) target(%dma_start3A_372 : memref<1x4096xf32, #tpu.memory_space<any>>) target_semaphore(%arg4 : memref<!tpu.dma_semaphore, #tpu.memory_space<semaphore_mem>>)
    %get3A_376 = arith.constant 54 : index
    %get3A_377 = memref.load %arg0[%get3A_376] : memref<64xi32, #tpu.memory_space<smem>>
    %dma_start3A_378 = arith.constant 0 : i32
    %dma_start3A_379 = tpu.memref_slice %arg3[%get3A_377, %dma_start3A_378] : memref<16384x4096xf32, #tpu.memory_space<any>> -> memref<1x4096xf32, #tpu.memory_space<any>>
    %dma_start3A_380 = arith.constant 54 : i32
    %dma_start3A_381 = arith.constant 0 : i32
    %dma_start3A_382 = tpu.memref_slice %arg1[%dma_start3A_380, %dma_start3A_381] : memref<64x4096xf32, #tpu.memory_space<vmem>> -> memref<1x4096xf32, #tpu.memory_space<vmem>>
    tpu.enqueue_dma source(%dma_start3A_382 : memref<1x4096xf32, #tpu.memory_space<vmem>>) target(%dma_start3A_379 : memref<1x4096xf32, #tpu.memory_space<any>>) target_semaphore(%arg4 : memref<!tpu.dma_semaphore, #tpu.memory_space<semaphore_mem>>)
    %get3A_383 = arith.constant 55 : index
    %get3A_384 = memref.load %arg0[%get3A_383] : memref<64xi32, #tpu.memory_space<smem>>
    %dma_start3A_385 = arith.constant 0 : i32
    %dma_start3A_386 = tpu.memref_slice %arg3[%get3A_384, %dma_start3A_385] : memref<16384x4096xf32, #tpu.memory_space<any>> -> memref<1x4096xf32, #tpu.memory_space<any>>
    %dma_start3A_387 = arith.constant 55 : i32
    %dma_start3A_388 = arith.constant 0 : i32
    %dma_start3A_389 = tpu.memref_slice %arg1[%dma_start3A_387, %dma_start3A_388] : memref<64x4096xf32, #tpu.memory_space<vmem>> -> memref<1x4096xf32, #tpu.memory_space<vmem>>
    tpu.enqueue_dma source(%dma_start3A_389 : memref<1x4096xf32, #tpu.memory_space<vmem>>) target(%dma_start3A_386 : memref<1x4096xf32, #tpu.memory_space<any>>) target_semaphore(%arg4 : memref<!tpu.dma_semaphore, #tpu.memory_space<semaphore_mem>>)
    %get3A_390 = arith.constant 56 : index
    %get3A_391 = memref.load %arg0[%get3A_390] : memref<64xi32, #tpu.memory_space<smem>>
    %dma_start3A_392 = arith.constant 0 : i32
    %dma_start3A_393 = tpu.memref_slice %arg3[%get3A_391, %dma_start3A_392] : memref<16384x4096xf32, #tpu.memory_space<any>> -> memref<1x4096xf32, #tpu.memory_space<any>>
    %dma_start3A_394 = arith.constant 56 : i32
    %dma_start3A_395 = arith.constant 0 : i32
    %dma_start3A_396 = tpu.memref_slice %arg1[%dma_start3A_394, %dma_start3A_395] : memref<64x4096xf32, #tpu.memory_space<vmem>> -> memref<1x4096xf32, #tpu.memory_space<vmem>>
    tpu.enqueue_dma source(%dma_start3A_396 : memref<1x4096xf32, #tpu.memory_space<vmem>>) target(%dma_start3A_393 : memref<1x4096xf32, #tpu.memory_space<any>>) target_semaphore(%arg4 : memref<!tpu.dma_semaphore, #tpu.memory_space<semaphore_mem>>)
    %get3A_397 = arith.constant 57 : index
    %get3A_398 = memref.load %arg0[%get3A_397] : memref<64xi32, #tpu.memory_space<smem>>
    %dma_start3A_399 = arith.constant 0 : i32
    %dma_start3A_400 = tpu.memref_slice %arg3[%get3A_398, %dma_start3A_399] : memref<16384x4096xf32, #tpu.memory_space<any>> -> memref<1x4096xf32, #tpu.memory_space<any>>
    %dma_start3A_401 = arith.constant 57 : i32
    %dma_start3A_402 = arith.constant 0 : i32
    %dma_start3A_403 = tpu.memref_slice %arg1[%dma_start3A_401, %dma_start3A_402] : memref<64x4096xf32, #tpu.memory_space<vmem>> -> memref<1x4096xf32, #tpu.memory_space<vmem>>
    tpu.enqueue_dma source(%dma_start3A_403 : memref<1x4096xf32, #tpu.memory_space<vmem>>) target(%dma_start3A_400 : memref<1x4096xf32, #tpu.memory_space<any>>) target_semaphore(%arg4 : memref<!tpu.dma_semaphore, #tpu.memory_space<semaphore_mem>>)
    %get3A_404 = arith.constant 58 : index
    %get3A_405 = memref.load %arg0[%get3A_404] : memref<64xi32, #tpu.memory_space<smem>>
    %dma_start3A_406 = arith.constant 0 : i32
    %dma_start3A_407 = tpu.memref_slice %arg3[%get3A_405, %dma_start3A_406] : memref<16384x4096xf32, #tpu.memory_space<any>> -> memref<1x4096xf32, #tpu.memory_space<any>>
    %dma_start3A_408 = arith.constant 58 : i32
    %dma_start3A_409 = arith.constant 0 : i32
    %dma_start3A_410 = tpu.memref_slice %arg1[%dma_start3A_408, %dma_start3A_409] : memref<64x4096xf32, #tpu.memory_space<vmem>> -> memref<1x4096xf32, #tpu.memory_space<vmem>>
    tpu.enqueue_dma source(%dma_start3A_410 : memref<1x4096xf32, #tpu.memory_space<vmem>>) target(%dma_start3A_407 : memref<1x4096xf32, #tpu.memory_space<any>>) target_semaphore(%arg4 : memref<!tpu.dma_semaphore, #tpu.memory_space<semaphore_mem>>)
    %get3A_411 = arith.constant 59 : index
    %get3A_412 = memref.load %arg0[%get3A_411] : memref<64xi32, #tpu.memory_space<smem>>
    %dma_start3A_413 = arith.constant 0 : i32
    %dma_start3A_414 = tpu.memref_slice %arg3[%get3A_412, %dma_start3A_413] : memref<16384x4096xf32, #tpu.memory_space<any>> -> memref<1x4096xf32, #tpu.memory_space<any>>
    %dma_start3A_415 = arith.constant 59 : i32
    %dma_start3A_416 = arith.constant 0 : i32
    %dma_start3A_417 = tpu.memref_slice %arg1[%dma_start3A_415, %dma_start3A_416] : memref<64x4096xf32, #tpu.memory_space<vmem>> -> memref<1x4096xf32, #tpu.memory_space<vmem>>
    tpu.enqueue_dma source(%dma_start3A_417 : memref<1x4096xf32, #tpu.memory_space<vmem>>) target(%dma_start3A_414 : memref<1x4096xf32, #tpu.memory_space<any>>) target_semaphore(%arg4 : memref<!tpu.dma_semaphore, #tpu.memory_space<semaphore_mem>>)
    %get3A_418 = arith.constant 60 : index
    %get3A_419 = memref.load %arg0[%get3A_418] : memref<64xi32, #tpu.memory_space<smem>>
    %dma_start3A_420 = arith.constant 0 : i32
    %dma_start3A_421 = tpu.memref_slice %arg3[%get3A_419, %dma_start3A_420] : memref<16384x4096xf32, #tpu.memory_space<any>> -> memref<1x4096xf32, #tpu.memory_space<any>>
    %dma_start3A_422 = arith.constant 60 : i32
    %dma_start3A_423 = arith.constant 0 : i32
    %dma_start3A_424 = tpu.memref_slice %arg1[%dma_start3A_422, %dma_start3A_423] : memref<64x4096xf32, #tpu.memory_space<vmem>> -> memref<1x4096xf32, #tpu.memory_space<vmem>>
    tpu.enqueue_dma source(%dma_start3A_424 : memref<1x4096xf32, #tpu.memory_space<vmem>>) target(%dma_start3A_421 : memref<1x4096xf32, #tpu.memory_space<any>>) target_semaphore(%arg4 : memref<!tpu.dma_semaphore, #tpu.memory_space<semaphore_mem>>)
    %get3A_425 = arith.constant 61 : index
    %get3A_426 = memref.load %arg0[%get3A_425] : memref<64xi32, #tpu.memory_space<smem>>
    %dma_start3A_427 = arith.constant 0 : i32
    %dma_start3A_428 = tpu.memref_slice %arg3[%get3A_426, %dma_start3A_427] : memref<16384x4096xf32, #tpu.memory_space<any>> -> memref<1x4096xf32, #tpu.memory_space<any>>
    %dma_start3A_429 = arith.constant 61 : i32
    %dma_start3A_430 = arith.constant 0 : i32
    %dma_start3A_431 = tpu.memref_slice %arg1[%dma_start3A_429, %dma_start3A_430] : memref<64x4096xf32, #tpu.memory_space<vmem>> -> memref<1x4096xf32, #tpu.memory_space<vmem>>
    tpu.enqueue_dma source(%dma_start3A_431 : memref<1x4096xf32, #tpu.memory_space<vmem>>) target(%dma_start3A_428 : memref<1x4096xf32, #tpu.memory_space<any>>) target_semaphore(%arg4 : memref<!tpu.dma_semaphore, #tpu.memory_space<semaphore_mem>>)
    %get3A_432 = arith.constant 62 : index
    %get3A_433 = memref.load %arg0[%get3A_432] : memref<64xi32, #tpu.memory_space<smem>>
    %dma_start3A_434 = arith.constant 0 : i32
    %dma_start3A_435 = tpu.memref_slice %arg3[%get3A_433, %dma_start3A_434] : memref<16384x4096xf32, #tpu.memory_space<any>> -> memref<1x4096xf32, #tpu.memory_space<any>>
    %dma_start3A_436 = arith.constant 62 : i32
    %dma_start3A_437 = arith.constant 0 : i32
    %dma_start3A_438 = tpu.memref_slice %arg1[%dma_start3A_436, %dma_start3A_437] : memref<64x4096xf32, #tpu.memory_space<vmem>> -> memref<1x4096xf32, #tpu.memory_space<vmem>>
    tpu.enqueue_dma source(%dma_start3A_438 : memref<1x4096xf32, #tpu.memory_space<vmem>>) target(%dma_start3A_435 : memref<1x4096xf32, #tpu.memory_space<any>>) target_semaphore(%arg4 : memref<!tpu.dma_semaphore, #tpu.memory_space<semaphore_mem>>)
    %get3A_439 = arith.constant 63 : index
    %get3A_440 = memref.load %arg0[%get3A_439] : memref<64xi32, #tpu.memory_space<smem>>
    %dma_start3A_441 = arith.constant 0 : i32
    %dma_start3A_442 = tpu.memref_slice %arg3[%get3A_440, %dma_start3A_441] : memref<16384x4096xf32, #tpu.memory_space<any>> -> memref<1x4096xf32, #tpu.memory_space<any>>
    %dma_start3A_443 = arith.constant 63 : i32
    %dma_start3A_444 = arith.constant 0 : i32
    %dma_start3A_445 = tpu.memref_slice %arg1[%dma_start3A_443, %dma_start3A_444] : memref<64x4096xf32, #tpu.memory_space<vmem>> -> memref<1x4096xf32, #tpu.memory_space<vmem>>
    tpu.enqueue_dma source(%dma_start3A_445 : memref<1x4096xf32, #tpu.memory_space<vmem>>) target(%dma_start3A_442 : memref<1x4096xf32, #tpu.memory_space<any>>) target_semaphore(%arg4 : memref<!tpu.dma_semaphore, #tpu.memory_space<semaphore_mem>>)
    %dma_wait3A = arith.constant 0 : i32
    %dma_wait3A_446 = tpu.memref_slice %arg3[%get3A_0, %dma_wait3A] : memref<16384x4096xf32, #tpu.memory_space<any>> -> memref<1x4096xf32, #tpu.memory_space<any>>
    %dma_wait3A_447 = arith.constant 0 : i32
    %dma_wait3A_448 = arith.constant 0 : i32
    %dma_wait3A_449 = tpu.memref_slice %arg1[%dma_wait3A_447, %dma_wait3A_448] : memref<64x4096xf32, #tpu.memory_space<vmem>> -> memref<1x4096xf32, #tpu.memory_space<vmem>>
    tpu.wait_dma2 semaphore(%arg4 : memref<!tpu.dma_semaphore, #tpu.memory_space<semaphore_mem>>) src(%dma_wait3A_449 : memref<1x4096xf32, #tpu.memory_space<vmem>>) dst(%dma_wait3A_446 : memref<1x4096xf32, #tpu.memory_space<any>>)
    %dma_wait3A_450 = arith.constant 0 : i32
    %dma_wait3A_451 = tpu.memref_slice %arg3[%get3A_6, %dma_wait3A_450] : memref<16384x4096xf32, #tpu.memory_space<any>> -> memref<1x4096xf32, #tpu.memory_space<any>>
    %dma_wait3A_452 = arith.constant 1 : i32
    %dma_wait3A_453 = arith.constant 0 : i32
    %dma_wait3A_454 = tpu.memref_slice %arg1[%dma_wait3A_452, %dma_wait3A_453] : memref<64x4096xf32, #tpu.memory_space<vmem>> -> memref<1x4096xf32, #tpu.memory_space<vmem>>
    tpu.wait_dma2 semaphore(%arg4 : memref<!tpu.dma_semaphore, #tpu.memory_space<semaphore_mem>>) src(%dma_wait3A_454 : memref<1x4096xf32, #tpu.memory_space<vmem>>) dst(%dma_wait3A_451 : memref<1x4096xf32, #tpu.memory_space<any>>)
    %dma_wait3A_455 = arith.constant 0 : i32
    %dma_wait3A_456 = tpu.memref_slice %arg3[%get3A_13, %dma_wait3A_455] : memref<16384x4096xf32, #tpu.memory_space<any>> -> memref<1x4096xf32, #tpu.memory_space<any>>
    %dma_wait3A_457 = arith.constant 2 : i32
    %dma_wait3A_458 = arith.constant 0 : i32
    %dma_wait3A_459 = tpu.memref_slice %arg1[%dma_wait3A_457, %dma_wait3A_458] : memref<64x4096xf32, #tpu.memory_space<vmem>> -> memref<1x4096xf32, #tpu.memory_space<vmem>>
    tpu.wait_dma2 semaphore(%arg4 : memref<!tpu.dma_semaphore, #tpu.memory_space<semaphore_mem>>) src(%dma_wait3A_459 : memref<1x4096xf32, #tpu.memory_space<vmem>>) dst(%dma_wait3A_456 : memref<1x4096xf32, #tpu.memory_space<any>>)
    %dma_wait3A_460 = arith.constant 0 : i32
    %dma_wait3A_461 = tpu.memref_slice %arg3[%get3A_20, %dma_wait3A_460] : memref<16384x4096xf32, #tpu.memory_space<any>> -> memref<1x4096xf32, #tpu.memory_space<any>>
    %dma_wait3A_462 = arith.constant 3 : i32
    %dma_wait3A_463 = arith.constant 0 : i32
    %dma_wait3A_464 = tpu.memref_slice %arg1[%dma_wait3A_462, %dma_wait3A_463] : memref<64x4096xf32, #tpu.memory_space<vmem>> -> memref<1x4096xf32, #tpu.memory_space<vmem>>
    tpu.wait_dma2 semaphore(%arg4 : memref<!tpu.dma_semaphore, #tpu.memory_space<semaphore_mem>>) src(%dma_wait3A_464 : memref<1x4096xf32, #tpu.memory_space<vmem>>) dst(%dma_wait3A_461 : memref<1x4096xf32, #tpu.memory_space<any>>)
    %dma_wait3A_465 = arith.constant 0 : i32
    %dma_wait3A_466 = tpu.memref_slice %arg3[%get3A_27, %dma_wait3A_465] : memref<16384x4096xf32, #tpu.memory_space<any>> -> memref<1x4096xf32, #tpu.memory_space<any>>
    %dma_wait3A_467 = arith.constant 4 : i32
    %dma_wait3A_468 = arith.constant 0 : i32
    %dma_wait3A_469 = tpu.memref_slice %arg1[%dma_wait3A_467, %dma_wait3A_468] : memref<64x4096xf32, #tpu.memory_space<vmem>> -> memref<1x4096xf32, #tpu.memory_space<vmem>>
    tpu.wait_dma2 semaphore(%arg4 : memref<!tpu.dma_semaphore, #tpu.memory_space<semaphore_mem>>) src(%dma_wait3A_469 : memref<1x4096xf32, #tpu.memory_space<vmem>>) dst(%dma_wait3A_466 : memref<1x4096xf32, #tpu.memory_space<any>>)
    %dma_wait3A_470 = arith.constant 0 : i32
    %dma_wait3A_471 = tpu.memref_slice %arg3[%get3A_34, %dma_wait3A_470] : memref<16384x4096xf32, #tpu.memory_space<any>> -> memref<1x4096xf32, #tpu.memory_space<any>>
    %dma_wait3A_472 = arith.constant 5 : i32
    %dma_wait3A_473 = arith.constant 0 : i32
    %dma_wait3A_474 = tpu.memref_slice %arg1[%dma_wait3A_472, %dma_wait3A_473] : memref<64x4096xf32, #tpu.memory_space<vmem>> -> memref<1x4096xf32, #tpu.memory_space<vmem>>
    tpu.wait_dma2 semaphore(%arg4 : memref<!tpu.dma_semaphore, #tpu.memory_space<semaphore_mem>>) src(%dma_wait3A_474 : memref<1x4096xf32, #tpu.memory_space<vmem>>) dst(%dma_wait3A_471 : memref<1x4096xf32, #tpu.memory_space<any>>)
    %dma_wait3A_475 = arith.constant 0 : i32
    %dma_wait3A_476 = tpu.memref_slice %arg3[%get3A_41, %dma_wait3A_475] : memref<16384x4096xf32, #tpu.memory_space<any>> -> memref<1x4096xf32, #tpu.memory_space<any>>
    %dma_wait3A_477 = arith.constant 6 : i32
    %dma_wait3A_478 = arith.constant 0 : i32
    %dma_wait3A_479 = tpu.memref_slice %arg1[%dma_wait3A_477, %dma_wait3A_478] : memref<64x4096xf32, #tpu.memory_space<vmem>> -> memref<1x4096xf32, #tpu.memory_space<vmem>>
    tpu.wait_dma2 semaphore(%arg4 : memref<!tpu.dma_semaphore, #tpu.memory_space<semaphore_mem>>) src(%dma_wait3A_479 : memref<1x4096xf32, #tpu.memory_space<vmem>>) dst(%dma_wait3A_476 : memref<1x4096xf32, #tpu.memory_space<any>>)
    %dma_wait3A_480 = arith.constant 0 : i32
    %dma_wait3A_481 = tpu.memref_slice %arg3[%get3A_48, %dma_wait3A_480] : memref<16384x4096xf32, #tpu.memory_space<any>> -> memref<1x4096xf32, #tpu.memory_space<any>>
    %dma_wait3A_482 = arith.constant 7 : i32
    %dma_wait3A_483 = arith.constant 0 : i32
    %dma_wait3A_484 = tpu.memref_slice %arg1[%dma_wait3A_482, %dma_wait3A_483] : memref<64x4096xf32, #tpu.memory_space<vmem>> -> memref<1x4096xf32, #tpu.memory_space<vmem>>
    tpu.wait_dma2 semaphore(%arg4 : memref<!tpu.dma_semaphore, #tpu.memory_space<semaphore_mem>>) src(%dma_wait3A_484 : memref<1x4096xf32, #tpu.memory_space<vmem>>) dst(%dma_wait3A_481 : memref<1x4096xf32, #tpu.memory_space<any>>)
    %dma_wait3A_485 = arith.constant 0 : i32
    %dma_wait3A_486 = tpu.memref_slice %arg3[%get3A_55, %dma_wait3A_485] : memref<16384x4096xf32, #tpu.memory_space<any>> -> memref<1x4096xf32, #tpu.memory_space<any>>
    %dma_wait3A_487 = arith.constant 8 : i32
    %dma_wait3A_488 = arith.constant 0 : i32
    %dma_wait3A_489 = tpu.memref_slice %arg1[%dma_wait3A_487, %dma_wait3A_488] : memref<64x4096xf32, #tpu.memory_space<vmem>> -> memref<1x4096xf32, #tpu.memory_space<vmem>>
    tpu.wait_dma2 semaphore(%arg4 : memref<!tpu.dma_semaphore, #tpu.memory_space<semaphore_mem>>) src(%dma_wait3A_489 : memref<1x4096xf32, #tpu.memory_space<vmem>>) dst(%dma_wait3A_486 : memref<1x4096xf32, #tpu.memory_space<any>>)
    %dma_wait3A_490 = arith.constant 0 : i32
    %dma_wait3A_491 = tpu.memref_slice %arg3[%get3A_62, %dma_wait3A_490] : memref<16384x4096xf32, #tpu.memory_space<any>> -> memref<1x4096xf32, #tpu.memory_space<any>>
    %dma_wait3A_492 = arith.constant 9 : i32
    %dma_wait3A_493 = arith.constant 0 : i32
    %dma_wait3A_494 = tpu.memref_slice %arg1[%dma_wait3A_492, %dma_wait3A_493] : memref<64x4096xf32, #tpu.memory_space<vmem>> -> memref<1x4096xf32, #tpu.memory_space<vmem>>
    tpu.wait_dma2 semaphore(%arg4 : memref<!tpu.dma_semaphore, #tpu.memory_space<semaphore_mem>>) src(%dma_wait3A_494 : memref<1x4096xf32, #tpu.memory_space<vmem>>) dst(%dma_wait3A_491 : memref<1x4096xf32, #tpu.memory_space<any>>)
    %dma_wait3A_495 = arith.constant 0 : i32
    %dma_wait3A_496 = tpu.memref_slice %arg3[%get3A_69, %dma_wait3A_495] : memref<16384x4096xf32, #tpu.memory_space<any>> -> memref<1x4096xf32, #tpu.memory_space<any>>
    %dma_wait3A_497 = arith.constant 10 : i32
    %dma_wait3A_498 = arith.constant 0 : i32
    %dma_wait3A_499 = tpu.memref_slice %arg1[%dma_wait3A_497, %dma_wait3A_498] : memref<64x4096xf32, #tpu.memory_space<vmem>> -> memref<1x4096xf32, #tpu.memory_space<vmem>>
    tpu.wait_dma2 semaphore(%arg4 : memref<!tpu.dma_semaphore, #tpu.memory_space<semaphore_mem>>) src(%dma_wait3A_499 : memref<1x4096xf32, #tpu.memory_space<vmem>>) dst(%dma_wait3A_496 : memref<1x4096xf32, #tpu.memory_space<any>>)
    %dma_wait3A_500 = arith.constant 0 : i32
    %dma_wait3A_501 = tpu.memref_slice %arg3[%get3A_76, %dma_wait3A_500] : memref<16384x4096xf32, #tpu.memory_space<any>> -> memref<1x4096xf32, #tpu.memory_space<any>>
    %dma_wait3A_502 = arith.constant 11 : i32
    %dma_wait3A_503 = arith.constant 0 : i32
    %dma_wait3A_504 = tpu.memref_slice %arg1[%dma_wait3A_502, %dma_wait3A_503] : memref<64x4096xf32, #tpu.memory_space<vmem>> -> memref<1x4096xf32, #tpu.memory_space<vmem>>
    tpu.wait_dma2 semaphore(%arg4 : memref<!tpu.dma_semaphore, #tpu.memory_space<semaphore_mem>>) src(%dma_wait3A_504 : memref<1x4096xf32, #tpu.memory_space<vmem>>) dst(%dma_wait3A_501 : memref<1x4096xf32, #tpu.memory_space<any>>)
    %dma_wait3A_505 = arith.constant 0 : i32
    %dma_wait3A_506 = tpu.memref_slice %arg3[%get3A_83, %dma_wait3A_505] : memref<16384x4096xf32, #tpu.memory_space<any>> -> memref<1x4096xf32, #tpu.memory_space<any>>
    %dma_wait3A_507 = arith.constant 12 : i32
    %dma_wait3A_508 = arith.constant 0 : i32
    %dma_wait3A_509 = tpu.memref_slice %arg1[%dma_wait3A_507, %dma_wait3A_508] : memref<64x4096xf32, #tpu.memory_space<vmem>> -> memref<1x4096xf32, #tpu.memory_space<vmem>>
    tpu.wait_dma2 semaphore(%arg4 : memref<!tpu.dma_semaphore, #tpu.memory_space<semaphore_mem>>) src(%dma_wait3A_509 : memref<1x4096xf32, #tpu.memory_space<vmem>>) dst(%dma_wait3A_506 : memref<1x4096xf32, #tpu.memory_space<any>>)
    %dma_wait3A_510 = arith.constant 0 : i32
    %dma_wait3A_511 = tpu.memref_slice %arg3[%get3A_90, %dma_wait3A_510] : memref<16384x4096xf32, #tpu.memory_space<any>> -> memref<1x4096xf32, #tpu.memory_space<any>>
    %dma_wait3A_512 = arith.constant 13 : i32
    %dma_wait3A_513 = arith.constant 0 : i32
    %dma_wait3A_514 = tpu.memref_slice %arg1[%dma_wait3A_512, %dma_wait3A_513] : memref<64x4096xf32, #tpu.memory_space<vmem>> -> memref<1x4096xf32, #tpu.memory_space<vmem>>
    tpu.wait_dma2 semaphore(%arg4 : memref<!tpu.dma_semaphore, #tpu.memory_space<semaphore_mem>>) src(%dma_wait3A_514 : memref<1x4096xf32, #tpu.memory_space<vmem>>) dst(%dma_wait3A_511 : memref<1x4096xf32, #tpu.memory_space<any>>)
    %dma_wait3A_515 = arith.constant 0 : i32
    %dma_wait3A_516 = tpu.memref_slice %arg3[%get3A_97, %dma_wait3A_515] : memref<16384x4096xf32, #tpu.memory_space<any>> -> memref<1x4096xf32, #tpu.memory_space<any>>
    %dma_wait3A_517 = arith.constant 14 : i32
    %dma_wait3A_518 = arith.constant 0 : i32
    %dma_wait3A_519 = tpu.memref_slice %arg1[%dma_wait3A_517, %dma_wait3A_518] : memref<64x4096xf32, #tpu.memory_space<vmem>> -> memref<1x4096xf32, #tpu.memory_space<vmem>>
    tpu.wait_dma2 semaphore(%arg4 : memref<!tpu.dma_semaphore, #tpu.memory_space<semaphore_mem>>) src(%dma_wait3A_519 : memref<1x4096xf32, #tpu.memory_space<vmem>>) dst(%dma_wait3A_516 : memref<1x4096xf32, #tpu.memory_space<any>>)
    %dma_wait3A_520 = arith.constant 0 : i32
    %dma_wait3A_521 = tpu.memref_slice %arg3[%get3A_104, %dma_wait3A_520] : memref<16384x4096xf32, #tpu.memory_space<any>> -> memref<1x4096xf32, #tpu.memory_space<any>>
    %dma_wait3A_522 = arith.constant 15 : i32
    %dma_wait3A_523 = arith.constant 0 : i32
    %dma_wait3A_524 = tpu.memref_slice %arg1[%dma_wait3A_522, %dma_wait3A_523] : memref<64x4096xf32, #tpu.memory_space<vmem>> -> memref<1x4096xf32, #tpu.memory_space<vmem>>
    tpu.wait_dma2 semaphore(%arg4 : memref<!tpu.dma_semaphore, #tpu.memory_space<semaphore_mem>>) src(%dma_wait3A_524 : memref<1x4096xf32, #tpu.memory_space<vmem>>) dst(%dma_wait3A_521 : memref<1x4096xf32, #tpu.memory_space<any>>)
    %dma_wait3A_525 = arith.constant 0 : i32
    %dma_wait3A_526 = tpu.memref_slice %arg3[%get3A_111, %dma_wait3A_525] : memref<16384x4096xf32, #tpu.memory_space<any>> -> memref<1x4096xf32, #tpu.memory_space<any>>
    %dma_wait3A_527 = arith.constant 16 : i32
    %dma_wait3A_528 = arith.constant 0 : i32
    %dma_wait3A_529 = tpu.memref_slice %arg1[%dma_wait3A_527, %dma_wait3A_528] : memref<64x4096xf32, #tpu.memory_space<vmem>> -> memref<1x4096xf32, #tpu.memory_space<vmem>>
    tpu.wait_dma2 semaphore(%arg4 : memref<!tpu.dma_semaphore, #tpu.memory_space<semaphore_mem>>) src(%dma_wait3A_529 : memref<1x4096xf32, #tpu.memory_space<vmem>>) dst(%dma_wait3A_526 : memref<1x4096xf32, #tpu.memory_space<any>>)
    %dma_wait3A_530 = arith.constant 0 : i32
    %dma_wait3A_531 = tpu.memref_slice %arg3[%get3A_118, %dma_wait3A_530] : memref<16384x4096xf32, #tpu.memory_space<any>> -> memref<1x4096xf32, #tpu.memory_space<any>>
    %dma_wait3A_532 = arith.constant 17 : i32
    %dma_wait3A_533 = arith.constant 0 : i32
    %dma_wait3A_534 = tpu.memref_slice %arg1[%dma_wait3A_532, %dma_wait3A_533] : memref<64x4096xf32, #tpu.memory_space<vmem>> -> memref<1x4096xf32, #tpu.memory_space<vmem>>
    tpu.wait_dma2 semaphore(%arg4 : memref<!tpu.dma_semaphore, #tpu.memory_space<semaphore_mem>>) src(%dma_wait3A_534 : memref<1x4096xf32, #tpu.memory_space<vmem>>) dst(%dma_wait3A_531 : memref<1x4096xf32, #tpu.memory_space<any>>)
    %dma_wait3A_535 = arith.constant 0 : i32
    %dma_wait3A_536 = tpu.memref_slice %arg3[%get3A_125, %dma_wait3A_535] : memref<16384x4096xf32, #tpu.memory_space<any>> -> memref<1x4096xf32, #tpu.memory_space<any>>
    %dma_wait3A_537 = arith.constant 18 : i32
    %dma_wait3A_538 = arith.constant 0 : i32
    %dma_wait3A_539 = tpu.memref_slice %arg1[%dma_wait3A_537, %dma_wait3A_538] : memref<64x4096xf32, #tpu.memory_space<vmem>> -> memref<1x4096xf32, #tpu.memory_space<vmem>>
    tpu.wait_dma2 semaphore(%arg4 : memref<!tpu.dma_semaphore, #tpu.memory_space<semaphore_mem>>) src(%dma_wait3A_539 : memref<1x4096xf32, #tpu.memory_space<vmem>>) dst(%dma_wait3A_536 : memref<1x4096xf32, #tpu.memory_space<any>>)
    %dma_wait3A_540 = arith.constant 0 : i32
    %dma_wait3A_541 = tpu.memref_slice %arg3[%get3A_132, %dma_wait3A_540] : memref<16384x4096xf32, #tpu.memory_space<any>> -> memref<1x4096xf32, #tpu.memory_space<any>>
    %dma_wait3A_542 = arith.constant 19 : i32
    %dma_wait3A_543 = arith.constant 0 : i32
    %dma_wait3A_544 = tpu.memref_slice %arg1[%dma_wait3A_542, %dma_wait3A_543] : memref<64x4096xf32, #tpu.memory_space<vmem>> -> memref<1x4096xf32, #tpu.memory_space<vmem>>
    tpu.wait_dma2 semaphore(%arg4 : memref<!tpu.dma_semaphore, #tpu.memory_space<semaphore_mem>>) src(%dma_wait3A_544 : memref<1x4096xf32, #tpu.memory_space<vmem>>) dst(%dma_wait3A_541 : memref<1x4096xf32, #tpu.memory_space<any>>)
    %dma_wait3A_545 = arith.constant 0 : i32
    %dma_wait3A_546 = tpu.memref_slice %arg3[%get3A_139, %dma_wait3A_545] : memref<16384x4096xf32, #tpu.memory_space<any>> -> memref<1x4096xf32, #tpu.memory_space<any>>
    %dma_wait3A_547 = arith.constant 20 : i32
    %dma_wait3A_548 = arith.constant 0 : i32
    %dma_wait3A_549 = tpu.memref_slice %arg1[%dma_wait3A_547, %dma_wait3A_548] : memref<64x4096xf32, #tpu.memory_space<vmem>> -> memref<1x4096xf32, #tpu.memory_space<vmem>>
    tpu.wait_dma2 semaphore(%arg4 : memref<!tpu.dma_semaphore, #tpu.memory_space<semaphore_mem>>) src(%dma_wait3A_549 : memref<1x4096xf32, #tpu.memory_space<vmem>>) dst(%dma_wait3A_546 : memref<1x4096xf32, #tpu.memory_space<any>>)
    %dma_wait3A_550 = arith.constant 0 : i32
    %dma_wait3A_551 = tpu.memref_slice %arg3[%get3A_146, %dma_wait3A_550] : memref<16384x4096xf32, #tpu.memory_space<any>> -> memref<1x4096xf32, #tpu.memory_space<any>>
    %dma_wait3A_552 = arith.constant 21 : i32
    %dma_wait3A_553 = arith.constant 0 : i32
    %dma_wait3A_554 = tpu.memref_slice %arg1[%dma_wait3A_552, %dma_wait3A_553] : memref<64x4096xf32, #tpu.memory_space<vmem>> -> memref<1x4096xf32, #tpu.memory_space<vmem>>
    tpu.wait_dma2 semaphore(%arg4 : memref<!tpu.dma_semaphore, #tpu.memory_space<semaphore_mem>>) src(%dma_wait3A_554 : memref<1x4096xf32, #tpu.memory_space<vmem>>) dst(%dma_wait3A_551 : memref<1x4096xf32, #tpu.memory_space<any>>)
    %dma_wait3A_555 = arith.constant 0 : i32
    %dma_wait3A_556 = tpu.memref_slice %arg3[%get3A_153, %dma_wait3A_555] : memref<16384x4096xf32, #tpu.memory_space<any>> -> memref<1x4096xf32, #tpu.memory_space<any>>
    %dma_wait3A_557 = arith.constant 22 : i32
    %dma_wait3A_558 = arith.constant 0 : i32
    %dma_wait3A_559 = tpu.memref_slice %arg1[%dma_wait3A_557, %dma_wait3A_558] : memref<64x4096xf32, #tpu.memory_space<vmem>> -> memref<1x4096xf32, #tpu.memory_space<vmem>>
    tpu.wait_dma2 semaphore(%arg4 : memref<!tpu.dma_semaphore, #tpu.memory_space<semaphore_mem>>) src(%dma_wait3A_559 : memref<1x4096xf32, #tpu.memory_space<vmem>>) dst(%dma_wait3A_556 : memref<1x4096xf32, #tpu.memory_space<any>>)
    %dma_wait3A_560 = arith.constant 0 : i32
    %dma_wait3A_561 = tpu.memref_slice %arg3[%get3A_160, %dma_wait3A_560] : memref<16384x4096xf32, #tpu.memory_space<any>> -> memref<1x4096xf32, #tpu.memory_space<any>>
    %dma_wait3A_562 = arith.constant 23 : i32
    %dma_wait3A_563 = arith.constant 0 : i32
    %dma_wait3A_564 = tpu.memref_slice %arg1[%dma_wait3A_562, %dma_wait3A_563] : memref<64x4096xf32, #tpu.memory_space<vmem>> -> memref<1x4096xf32, #tpu.memory_space<vmem>>
    tpu.wait_dma2 semaphore(%arg4 : memref<!tpu.dma_semaphore, #tpu.memory_space<semaphore_mem>>) src(%dma_wait3A_564 : memref<1x4096xf32, #tpu.memory_space<vmem>>) dst(%dma_wait3A_561 : memref<1x4096xf32, #tpu.memory_space<any>>)
    %dma_wait3A_565 = arith.constant 0 : i32
    %dma_wait3A_566 = tpu.memref_slice %arg3[%get3A_167, %dma_wait3A_565] : memref<16384x4096xf32, #tpu.memory_space<any>> -> memref<1x4096xf32, #tpu.memory_space<any>>
    %dma_wait3A_567 = arith.constant 24 : i32
    %dma_wait3A_568 = arith.constant 0 : i32
    %dma_wait3A_569 = tpu.memref_slice %arg1[%dma_wait3A_567, %dma_wait3A_568] : memref<64x4096xf32, #tpu.memory_space<vmem>> -> memref<1x4096xf32, #tpu.memory_space<vmem>>
    tpu.wait_dma2 semaphore(%arg4 : memref<!tpu.dma_semaphore, #tpu.memory_space<semaphore_mem>>) src(%dma_wait3A_569 : memref<1x4096xf32, #tpu.memory_space<vmem>>) dst(%dma_wait3A_566 : memref<1x4096xf32, #tpu.memory_space<any>>)
    %dma_wait3A_570 = arith.constant 0 : i32
    %dma_wait3A_571 = tpu.memref_slice %arg3[%get3A_174, %dma_wait3A_570] : memref<16384x4096xf32, #tpu.memory_space<any>> -> memref<1x4096xf32, #tpu.memory_space<any>>
    %dma_wait3A_572 = arith.constant 25 : i32
    %dma_wait3A_573 = arith.constant 0 : i32
    %dma_wait3A_574 = tpu.memref_slice %arg1[%dma_wait3A_572, %dma_wait3A_573] : memref<64x4096xf32, #tpu.memory_space<vmem>> -> memref<1x4096xf32, #tpu.memory_space<vmem>>
    tpu.wait_dma2 semaphore(%arg4 : memref<!tpu.dma_semaphore, #tpu.memory_space<semaphore_mem>>) src(%dma_wait3A_574 : memref<1x4096xf32, #tpu.memory_space<vmem>>) dst(%dma_wait3A_571 : memref<1x4096xf32, #tpu.memory_space<any>>)
    %dma_wait3A_575 = arith.constant 0 : i32
    %dma_wait3A_576 = tpu.memref_slice %arg3[%get3A_181, %dma_wait3A_575] : memref<16384x4096xf32, #tpu.memory_space<any>> -> memref<1x4096xf32, #tpu.memory_space<any>>
    %dma_wait3A_577 = arith.constant 26 : i32
    %dma_wait3A_578 = arith.constant 0 : i32
    %dma_wait3A_579 = tpu.memref_slice %arg1[%dma_wait3A_577, %dma_wait3A_578] : memref<64x4096xf32, #tpu.memory_space<vmem>> -> memref<1x4096xf32, #tpu.memory_space<vmem>>
    tpu.wait_dma2 semaphore(%arg4 : memref<!tpu.dma_semaphore, #tpu.memory_space<semaphore_mem>>) src(%dma_wait3A_579 : memref<1x4096xf32, #tpu.memory_space<vmem>>) dst(%dma_wait3A_576 : memref<1x4096xf32, #tpu.memory_space<any>>)
    %dma_wait3A_580 = arith.constant 0 : i32
    %dma_wait3A_581 = tpu.memref_slice %arg3[%get3A_188, %dma_wait3A_580] : memref<16384x4096xf32, #tpu.memory_space<any>> -> memref<1x4096xf32, #tpu.memory_space<any>>
    %dma_wait3A_582 = arith.constant 27 : i32
    %dma_wait3A_583 = arith.constant 0 : i32
    %dma_wait3A_584 = tpu.memref_slice %arg1[%dma_wait3A_582, %dma_wait3A_583] : memref<64x4096xf32, #tpu.memory_space<vmem>> -> memref<1x4096xf32, #tpu.memory_space<vmem>>
    tpu.wait_dma2 semaphore(%arg4 : memref<!tpu.dma_semaphore, #tpu.memory_space<semaphore_mem>>) src(%dma_wait3A_584 : memref<1x4096xf32, #tpu.memory_space<vmem>>) dst(%dma_wait3A_581 : memref<1x4096xf32, #tpu.memory_space<any>>)
    %dma_wait3A_585 = arith.constant 0 : i32
    %dma_wait3A_586 = tpu.memref_slice %arg3[%get3A_195, %dma_wait3A_585] : memref<16384x4096xf32, #tpu.memory_space<any>> -> memref<1x4096xf32, #tpu.memory_space<any>>
    %dma_wait3A_587 = arith.constant 28 : i32
    %dma_wait3A_588 = arith.constant 0 : i32
    %dma_wait3A_589 = tpu.memref_slice %arg1[%dma_wait3A_587, %dma_wait3A_588] : memref<64x4096xf32, #tpu.memory_space<vmem>> -> memref<1x4096xf32, #tpu.memory_space<vmem>>
    tpu.wait_dma2 semaphore(%arg4 : memref<!tpu.dma_semaphore, #tpu.memory_space<semaphore_mem>>) src(%dma_wait3A_589 : memref<1x4096xf32, #tpu.memory_space<vmem>>) dst(%dma_wait3A_586 : memref<1x4096xf32, #tpu.memory_space<any>>)
    %dma_wait3A_590 = arith.constant 0 : i32
    %dma_wait3A_591 = tpu.memref_slice %arg3[%get3A_202, %dma_wait3A_590] : memref<16384x4096xf32, #tpu.memory_space<any>> -> memref<1x4096xf32, #tpu.memory_space<any>>
    %dma_wait3A_592 = arith.constant 29 : i32
    %dma_wait3A_593 = arith.constant 0 : i32
    %dma_wait3A_594 = tpu.memref_slice %arg1[%dma_wait3A_592, %dma_wait3A_593] : memref<64x4096xf32, #tpu.memory_space<vmem>> -> memref<1x4096xf32, #tpu.memory_space<vmem>>
    tpu.wait_dma2 semaphore(%arg4 : memref<!tpu.dma_semaphore, #tpu.memory_space<semaphore_mem>>) src(%dma_wait3A_594 : memref<1x4096xf32, #tpu.memory_space<vmem>>) dst(%dma_wait3A_591 : memref<1x4096xf32, #tpu.memory_space<any>>)
    %dma_wait3A_595 = arith.constant 0 : i32
    %dma_wait3A_596 = tpu.memref_slice %arg3[%get3A_209, %dma_wait3A_595] : memref<16384x4096xf32, #tpu.memory_space<any>> -> memref<1x4096xf32, #tpu.memory_space<any>>
    %dma_wait3A_597 = arith.constant 30 : i32
    %dma_wait3A_598 = arith.constant 0 : i32
    %dma_wait3A_599 = tpu.memref_slice %arg1[%dma_wait3A_597, %dma_wait3A_598] : memref<64x4096xf32, #tpu.memory_space<vmem>> -> memref<1x4096xf32, #tpu.memory_space<vmem>>
    tpu.wait_dma2 semaphore(%arg4 : memref<!tpu.dma_semaphore, #tpu.memory_space<semaphore_mem>>) src(%dma_wait3A_599 : memref<1x4096xf32, #tpu.memory_space<vmem>>) dst(%dma_wait3A_596 : memref<1x4096xf32, #tpu.memory_space<any>>)
    %dma_wait3A_600 = arith.constant 0 : i32
    %dma_wait3A_601 = tpu.memref_slice %arg3[%get3A_216, %dma_wait3A_600] : memref<16384x4096xf32, #tpu.memory_space<any>> -> memref<1x4096xf32, #tpu.memory_space<any>>
    %dma_wait3A_602 = arith.constant 31 : i32
    %dma_wait3A_603 = arith.constant 0 : i32
    %dma_wait3A_604 = tpu.memref_slice %arg1[%dma_wait3A_602, %dma_wait3A_603] : memref<64x4096xf32, #tpu.memory_space<vmem>> -> memref<1x4096xf32, #tpu.memory_space<vmem>>
    tpu.wait_dma2 semaphore(%arg4 : memref<!tpu.dma_semaphore, #tpu.memory_space<semaphore_mem>>) src(%dma_wait3A_604 : memref<1x4096xf32, #tpu.memory_space<vmem>>) dst(%dma_wait3A_601 : memref<1x4096xf32, #tpu.memory_space<any>>)
    %dma_wait3A_605 = arith.constant 0 : i32
    %dma_wait3A_606 = tpu.memref_slice %arg3[%get3A_223, %dma_wait3A_605] : memref<16384x4096xf32, #tpu.memory_space<any>> -> memref<1x4096xf32, #tpu.memory_space<any>>
    %dma_wait3A_607 = arith.constant 32 : i32
    %dma_wait3A_608 = arith.constant 0 : i32
    %dma_wait3A_609 = tpu.memref_slice %arg1[%dma_wait3A_607, %dma_wait3A_608] : memref<64x4096xf32, #tpu.memory_space<vmem>> -> memref<1x4096xf32, #tpu.memory_space<vmem>>
    tpu.wait_dma2 semaphore(%arg4 : memref<!tpu.dma_semaphore, #tpu.memory_space<semaphore_mem>>) src(%dma_wait3A_609 : memref<1x4096xf32, #tpu.memory_space<vmem>>) dst(%dma_wait3A_606 : memref<1x4096xf32, #tpu.memory_space<any>>)
    %dma_wait3A_610 = arith.constant 0 : i32
    %dma_wait3A_611 = tpu.memref_slice %arg3[%get3A_230, %dma_wait3A_610] : memref<16384x4096xf32, #tpu.memory_space<any>> -> memref<1x4096xf32, #tpu.memory_space<any>>
    %dma_wait3A_612 = arith.constant 33 : i32
    %dma_wait3A_613 = arith.constant 0 : i32
    %dma_wait3A_614 = tpu.memref_slice %arg1[%dma_wait3A_612, %dma_wait3A_613] : memref<64x4096xf32, #tpu.memory_space<vmem>> -> memref<1x4096xf32, #tpu.memory_space<vmem>>
    tpu.wait_dma2 semaphore(%arg4 : memref<!tpu.dma_semaphore, #tpu.memory_space<semaphore_mem>>) src(%dma_wait3A_614 : memref<1x4096xf32, #tpu.memory_space<vmem>>) dst(%dma_wait3A_611 : memref<1x4096xf32, #tpu.memory_space<any>>)
    %dma_wait3A_615 = arith.constant 0 : i32
    %dma_wait3A_616 = tpu.memref_slice %arg3[%get3A_237, %dma_wait3A_615] : memref<16384x4096xf32, #tpu.memory_space<any>> -> memref<1x4096xf32, #tpu.memory_space<any>>
    %dma_wait3A_617 = arith.constant 34 : i32
    %dma_wait3A_618 = arith.constant 0 : i32
    %dma_wait3A_619 = tpu.memref_slice %arg1[%dma_wait3A_617, %dma_wait3A_618] : memref<64x4096xf32, #tpu.memory_space<vmem>> -> memref<1x4096xf32, #tpu.memory_space<vmem>>
    tpu.wait_dma2 semaphore(%arg4 : memref<!tpu.dma_semaphore, #tpu.memory_space<semaphore_mem>>) src(%dma_wait3A_619 : memref<1x4096xf32, #tpu.memory_space<vmem>>) dst(%dma_wait3A_616 : memref<1x4096xf32, #tpu.memory_space<any>>)
    %dma_wait3A_620 = arith.constant 0 : i32
    %dma_wait3A_621 = tpu.memref_slice %arg3[%get3A_244, %dma_wait3A_620] : memref<16384x4096xf32, #tpu.memory_space<any>> -> memref<1x4096xf32, #tpu.memory_space<any>>
    %dma_wait3A_622 = arith.constant 35 : i32
    %dma_wait3A_623 = arith.constant 0 : i32
    %dma_wait3A_624 = tpu.memref_slice %arg1[%dma_wait3A_622, %dma_wait3A_623] : memref<64x4096xf32, #tpu.memory_space<vmem>> -> memref<1x4096xf32, #tpu.memory_space<vmem>>
    tpu.wait_dma2 semaphore(%arg4 : memref<!tpu.dma_semaphore, #tpu.memory_space<semaphore_mem>>) src(%dma_wait3A_624 : memref<1x4096xf32, #tpu.memory_space<vmem>>) dst(%dma_wait3A_621 : memref<1x4096xf32, #tpu.memory_space<any>>)
    %dma_wait3A_625 = arith.constant 0 : i32
    %dma_wait3A_626 = tpu.memref_slice %arg3[%get3A_251, %dma_wait3A_625] : memref<16384x4096xf32, #tpu.memory_space<any>> -> memref<1x4096xf32, #tpu.memory_space<any>>
    %dma_wait3A_627 = arith.constant 36 : i32
    %dma_wait3A_628 = arith.constant 0 : i32
    %dma_wait3A_629 = tpu.memref_slice %arg1[%dma_wait3A_627, %dma_wait3A_628] : memref<64x4096xf32, #tpu.memory_space<vmem>> -> memref<1x4096xf32, #tpu.memory_space<vmem>>
    tpu.wait_dma2 semaphore(%arg4 : memref<!tpu.dma_semaphore, #tpu.memory_space<semaphore_mem>>) src(%dma_wait3A_629 : memref<1x4096xf32, #tpu.memory_space<vmem>>) dst(%dma_wait3A_626 : memref<1x4096xf32, #tpu.memory_space<any>>)
    %dma_wait3A_630 = arith.constant 0 : i32
    %dma_wait3A_631 = tpu.memref_slice %arg3[%get3A_258, %dma_wait3A_630] : memref<16384x4096xf32, #tpu.memory_space<any>> -> memref<1x4096xf32, #tpu.memory_space<any>>
    %dma_wait3A_632 = arith.constant 37 : i32
    %dma_wait3A_633 = arith.constant 0 : i32
    %dma_wait3A_634 = tpu.memref_slice %arg1[%dma_wait3A_632, %dma_wait3A_633] : memref<64x4096xf32, #tpu.memory_space<vmem>> -> memref<1x4096xf32, #tpu.memory_space<vmem>>
    tpu.wait_dma2 semaphore(%arg4 : memref<!tpu.dma_semaphore, #tpu.memory_space<semaphore_mem>>) src(%dma_wait3A_634 : memref<1x4096xf32, #tpu.memory_space<vmem>>) dst(%dma_wait3A_631 : memref<1x4096xf32, #tpu.memory_space<any>>)
    %dma_wait3A_635 = arith.constant 0 : i32
    %dma_wait3A_636 = tpu.memref_slice %arg3[%get3A_265, %dma_wait3A_635] : memref<16384x4096xf32, #tpu.memory_space<any>> -> memref<1x4096xf32, #tpu.memory_space<any>>
    %dma_wait3A_637 = arith.constant 38 : i32
    %dma_wait3A_638 = arith.constant 0 : i32
    %dma_wait3A_639 = tpu.memref_slice %arg1[%dma_wait3A_637, %dma_wait3A_638] : memref<64x4096xf32, #tpu.memory_space<vmem>> -> memref<1x4096xf32, #tpu.memory_space<vmem>>
    tpu.wait_dma2 semaphore(%arg4 : memref<!tpu.dma_semaphore, #tpu.memory_space<semaphore_mem>>) src(%dma_wait3A_639 : memref<1x4096xf32, #tpu.memory_space<vmem>>) dst(%dma_wait3A_636 : memref<1x4096xf32, #tpu.memory_space<any>>)
    %dma_wait3A_640 = arith.constant 0 : i32
    %dma_wait3A_641 = tpu.memref_slice %arg3[%get3A_272, %dma_wait3A_640] : memref<16384x4096xf32, #tpu.memory_space<any>> -> memref<1x4096xf32, #tpu.memory_space<any>>
    %dma_wait3A_642 = arith.constant 39 : i32
    %dma_wait3A_643 = arith.constant 0 : i32
    %dma_wait3A_644 = tpu.memref_slice %arg1[%dma_wait3A_642, %dma_wait3A_643] : memref<64x4096xf32, #tpu.memory_space<vmem>> -> memref<1x4096xf32, #tpu.memory_space<vmem>>
    tpu.wait_dma2 semaphore(%arg4 : memref<!tpu.dma_semaphore, #tpu.memory_space<semaphore_mem>>) src(%dma_wait3A_644 : memref<1x4096xf32, #tpu.memory_space<vmem>>) dst(%dma_wait3A_641 : memref<1x4096xf32, #tpu.memory_space<any>>)
    %dma_wait3A_645 = arith.constant 0 : i32
    %dma_wait3A_646 = tpu.memref_slice %arg3[%get3A_279, %dma_wait3A_645] : memref<16384x4096xf32, #tpu.memory_space<any>> -> memref<1x4096xf32, #tpu.memory_space<any>>
    %dma_wait3A_647 = arith.constant 40 : i32
    %dma_wait3A_648 = arith.constant 0 : i32
    %dma_wait3A_649 = tpu.memref_slice %arg1[%dma_wait3A_647, %dma_wait3A_648] : memref<64x4096xf32, #tpu.memory_space<vmem>> -> memref<1x4096xf32, #tpu.memory_space<vmem>>
    tpu.wait_dma2 semaphore(%arg4 : memref<!tpu.dma_semaphore, #tpu.memory_space<semaphore_mem>>) src(%dma_wait3A_649 : memref<1x4096xf32, #tpu.memory_space<vmem>>) dst(%dma_wait3A_646 : memref<1x4096xf32, #tpu.memory_space<any>>)
    %dma_wait3A_650 = arith.constant 0 : i32
    %dma_wait3A_651 = tpu.memref_slice %arg3[%get3A_286, %dma_wait3A_650] : memref<16384x4096xf32, #tpu.memory_space<any>> -> memref<1x4096xf32, #tpu.memory_space<any>>
    %dma_wait3A_652 = arith.constant 41 : i32
    %dma_wait3A_653 = arith.constant 0 : i32
    %dma_wait3A_654 = tpu.memref_slice %arg1[%dma_wait3A_652, %dma_wait3A_653] : memref<64x4096xf32, #tpu.memory_space<vmem>> -> memref<1x4096xf32, #tpu.memory_space<vmem>>
    tpu.wait_dma2 semaphore(%arg4 : memref<!tpu.dma_semaphore, #tpu.memory_space<semaphore_mem>>) src(%dma_wait3A_654 : memref<1x4096xf32, #tpu.memory_space<vmem>>) dst(%dma_wait3A_651 : memref<1x4096xf32, #tpu.memory_space<any>>)
    %dma_wait3A_655 = arith.constant 0 : i32
    %dma_wait3A_656 = tpu.memref_slice %arg3[%get3A_293, %dma_wait3A_655] : memref<16384x4096xf32, #tpu.memory_space<any>> -> memref<1x4096xf32, #tpu.memory_space<any>>
    %dma_wait3A_657 = arith.constant 42 : i32
    %dma_wait3A_658 = arith.constant 0 : i32
    %dma_wait3A_659 = tpu.memref_slice %arg1[%dma_wait3A_657, %dma_wait3A_658] : memref<64x4096xf32, #tpu.memory_space<vmem>> -> memref<1x4096xf32, #tpu.memory_space<vmem>>
    tpu.wait_dma2 semaphore(%arg4 : memref<!tpu.dma_semaphore, #tpu.memory_space<semaphore_mem>>) src(%dma_wait3A_659 : memref<1x4096xf32, #tpu.memory_space<vmem>>) dst(%dma_wait3A_656 : memref<1x4096xf32, #tpu.memory_space<any>>)
    %dma_wait3A_660 = arith.constant 0 : i32
    %dma_wait3A_661 = tpu.memref_slice %arg3[%get3A_300, %dma_wait3A_660] : memref<16384x4096xf32, #tpu.memory_space<any>> -> memref<1x4096xf32, #tpu.memory_space<any>>
    %dma_wait3A_662 = arith.constant 43 : i32
    %dma_wait3A_663 = arith.constant 0 : i32
    %dma_wait3A_664 = tpu.memref_slice %arg1[%dma_wait3A_662, %dma_wait3A_663] : memref<64x4096xf32, #tpu.memory_space<vmem>> -> memref<1x4096xf32, #tpu.memory_space<vmem>>
    tpu.wait_dma2 semaphore(%arg4 : memref<!tpu.dma_semaphore, #tpu.memory_space<semaphore_mem>>) src(%dma_wait3A_664 : memref<1x4096xf32, #tpu.memory_space<vmem>>) dst(%dma_wait3A_661 : memref<1x4096xf32, #tpu.memory_space<any>>)
    %dma_wait3A_665 = arith.constant 0 : i32
    %dma_wait3A_666 = tpu.memref_slice %arg3[%get3A_307, %dma_wait3A_665] : memref<16384x4096xf32, #tpu.memory_space<any>> -> memref<1x4096xf32, #tpu.memory_space<any>>
    %dma_wait3A_667 = arith.constant 44 : i32
    %dma_wait3A_668 = arith.constant 0 : i32
    %dma_wait3A_669 = tpu.memref_slice %arg1[%dma_wait3A_667, %dma_wait3A_668] : memref<64x4096xf32, #tpu.memory_space<vmem>> -> memref<1x4096xf32, #tpu.memory_space<vmem>>
    tpu.wait_dma2 semaphore(%arg4 : memref<!tpu.dma_semaphore, #tpu.memory_space<semaphore_mem>>) src(%dma_wait3A_669 : memref<1x4096xf32, #tpu.memory_space<vmem>>) dst(%dma_wait3A_666 : memref<1x4096xf32, #tpu.memory_space<any>>)
    %dma_wait3A_670 = arith.constant 0 : i32
    %dma_wait3A_671 = tpu.memref_slice %arg3[%get3A_314, %dma_wait3A_670] : memref<16384x4096xf32, #tpu.memory_space<any>> -> memref<1x4096xf32, #tpu.memory_space<any>>
    %dma_wait3A_672 = arith.constant 45 : i32
    %dma_wait3A_673 = arith.constant 0 : i32
    %dma_wait3A_674 = tpu.memref_slice %arg1[%dma_wait3A_672, %dma_wait3A_673] : memref<64x4096xf32, #tpu.memory_space<vmem>> -> memref<1x4096xf32, #tpu.memory_space<vmem>>
    tpu.wait_dma2 semaphore(%arg4 : memref<!tpu.dma_semaphore, #tpu.memory_space<semaphore_mem>>) src(%dma_wait3A_674 : memref<1x4096xf32, #tpu.memory_space<vmem>>) dst(%dma_wait3A_671 : memref<1x4096xf32, #tpu.memory_space<any>>)
    %dma_wait3A_675 = arith.constant 0 : i32
    %dma_wait3A_676 = tpu.memref_slice %arg3[%get3A_321, %dma_wait3A_675] : memref<16384x4096xf32, #tpu.memory_space<any>> -> memref<1x4096xf32, #tpu.memory_space<any>>
    %dma_wait3A_677 = arith.constant 46 : i32
    %dma_wait3A_678 = arith.constant 0 : i32
    %dma_wait3A_679 = tpu.memref_slice %arg1[%dma_wait3A_677, %dma_wait3A_678] : memref<64x4096xf32, #tpu.memory_space<vmem>> -> memref<1x4096xf32, #tpu.memory_space<vmem>>
    tpu.wait_dma2 semaphore(%arg4 : memref<!tpu.dma_semaphore, #tpu.memory_space<semaphore_mem>>) src(%dma_wait3A_679 : memref<1x4096xf32, #tpu.memory_space<vmem>>) dst(%dma_wait3A_676 : memref<1x4096xf32, #tpu.memory_space<any>>)
    %dma_wait3A_680 = arith.constant 0 : i32
    %dma_wait3A_681 = tpu.memref_slice %arg3[%get3A_328, %dma_wait3A_680] : memref<16384x4096xf32, #tpu.memory_space<any>> -> memref<1x4096xf32, #tpu.memory_space<any>>
    %dma_wait3A_682 = arith.constant 47 : i32
    %dma_wait3A_683 = arith.constant 0 : i32
    %dma_wait3A_684 = tpu.memref_slice %arg1[%dma_wait3A_682, %dma_wait3A_683] : memref<64x4096xf32, #tpu.memory_space<vmem>> -> memref<1x4096xf32, #tpu.memory_space<vmem>>
    tpu.wait_dma2 semaphore(%arg4 : memref<!tpu.dma_semaphore, #tpu.memory_space<semaphore_mem>>) src(%dma_wait3A_684 : memref<1x4096xf32, #tpu.memory_space<vmem>>) dst(%dma_wait3A_681 : memref<1x4096xf32, #tpu.memory_space<any>>)
    %dma_wait3A_685 = arith.constant 0 : i32
    %dma_wait3A_686 = tpu.memref_slice %arg3[%get3A_335, %dma_wait3A_685] : memref<16384x4096xf32, #tpu.memory_space<any>> -> memref<1x4096xf32, #tpu.memory_space<any>>
    %dma_wait3A_687 = arith.constant 48 : i32
    %dma_wait3A_688 = arith.constant 0 : i32
    %dma_wait3A_689 = tpu.memref_slice %arg1[%dma_wait3A_687, %dma_wait3A_688] : memref<64x4096xf32, #tpu.memory_space<vmem>> -> memref<1x4096xf32, #tpu.memory_space<vmem>>
    tpu.wait_dma2 semaphore(%arg4 : memref<!tpu.dma_semaphore, #tpu.memory_space<semaphore_mem>>) src(%dma_wait3A_689 : memref<1x4096xf32, #tpu.memory_space<vmem>>) dst(%dma_wait3A_686 : memref<1x4096xf32, #tpu.memory_space<any>>)
    %dma_wait3A_690 = arith.constant 0 : i32
    %dma_wait3A_691 = tpu.memref_slice %arg3[%get3A_342, %dma_wait3A_690] : memref<16384x4096xf32, #tpu.memory_space<any>> -> memref<1x4096xf32, #tpu.memory_space<any>>
    %dma_wait3A_692 = arith.constant 49 : i32
    %dma_wait3A_693 = arith.constant 0 : i32
    %dma_wait3A_694 = tpu.memref_slice %arg1[%dma_wait3A_692, %dma_wait3A_693] : memref<64x4096xf32, #tpu.memory_space<vmem>> -> memref<1x4096xf32, #tpu.memory_space<vmem>>
    tpu.wait_dma2 semaphore(%arg4 : memref<!tpu.dma_semaphore, #tpu.memory_space<semaphore_mem>>) src(%dma_wait3A_694 : memref<1x4096xf32, #tpu.memory_space<vmem>>) dst(%dma_wait3A_691 : memref<1x4096xf32, #tpu.memory_space<any>>)
    %dma_wait3A_695 = arith.constant 0 : i32
    %dma_wait3A_696 = tpu.memref_slice %arg3[%get3A_349, %dma_wait3A_695] : memref<16384x4096xf32, #tpu.memory_space<any>> -> memref<1x4096xf32, #tpu.memory_space<any>>
    %dma_wait3A_697 = arith.constant 50 : i32
    %dma_wait3A_698 = arith.constant 0 : i32
    %dma_wait3A_699 = tpu.memref_slice %arg1[%dma_wait3A_697, %dma_wait3A_698] : memref<64x4096xf32, #tpu.memory_space<vmem>> -> memref<1x4096xf32, #tpu.memory_space<vmem>>
    tpu.wait_dma2 semaphore(%arg4 : memref<!tpu.dma_semaphore, #tpu.memory_space<semaphore_mem>>) src(%dma_wait3A_699 : memref<1x4096xf32, #tpu.memory_space<vmem>>) dst(%dma_wait3A_696 : memref<1x4096xf32, #tpu.memory_space<any>>)
    %dma_wait3A_700 = arith.constant 0 : i32
    %dma_wait3A_701 = tpu.memref_slice %arg3[%get3A_356, %dma_wait3A_700] : memref<16384x4096xf32, #tpu.memory_space<any>> -> memref<1x4096xf32, #tpu.memory_space<any>>
    %dma_wait3A_702 = arith.constant 51 : i32
    %dma_wait3A_703 = arith.constant 0 : i32
    %dma_wait3A_704 = tpu.memref_slice %arg1[%dma_wait3A_702, %dma_wait3A_703] : memref<64x4096xf32, #tpu.memory_space<vmem>> -> memref<1x4096xf32, #tpu.memory_space<vmem>>
    tpu.wait_dma2 semaphore(%arg4 : memref<!tpu.dma_semaphore, #tpu.memory_space<semaphore_mem>>) src(%dma_wait3A_704 : memref<1x4096xf32, #tpu.memory_space<vmem>>) dst(%dma_wait3A_701 : memref<1x4096xf32, #tpu.memory_space<any>>)
    %dma_wait3A_705 = arith.constant 0 : i32
    %dma_wait3A_706 = tpu.memref_slice %arg3[%get3A_363, %dma_wait3A_705] : memref<16384x4096xf32, #tpu.memory_space<any>> -> memref<1x4096xf32, #tpu.memory_space<any>>
    %dma_wait3A_707 = arith.constant 52 : i32
    %dma_wait3A_708 = arith.constant 0 : i32
    %dma_wait3A_709 = tpu.memref_slice %arg1[%dma_wait3A_707, %dma_wait3A_708] : memref<64x4096xf32, #tpu.memory_space<vmem>> -> memref<1x4096xf32, #tpu.memory_space<vmem>>
    tpu.wait_dma2 semaphore(%arg4 : memref<!tpu.dma_semaphore, #tpu.memory_space<semaphore_mem>>) src(%dma_wait3A_709 : memref<1x4096xf32, #tpu.memory_space<vmem>>) dst(%dma_wait3A_706 : memref<1x4096xf32, #tpu.memory_space<any>>)
    %dma_wait3A_710 = arith.constant 0 : i32
    %dma_wait3A_711 = tpu.memref_slice %arg3[%get3A_370, %dma_wait3A_710] : memref<16384x4096xf32, #tpu.memory_space<any>> -> memref<1x4096xf32, #tpu.memory_space<any>>
    %dma_wait3A_712 = arith.constant 53 : i32
    %dma_wait3A_713 = arith.constant 0 : i32
    %dma_wait3A_714 = tpu.memref_slice %arg1[%dma_wait3A_712, %dma_wait3A_713] : memref<64x4096xf32, #tpu.memory_space<vmem>> -> memref<1x4096xf32, #tpu.memory_space<vmem>>
    tpu.wait_dma2 semaphore(%arg4 : memref<!tpu.dma_semaphore, #tpu.memory_space<semaphore_mem>>) src(%dma_wait3A_714 : memref<1x4096xf32, #tpu.memory_space<vmem>>) dst(%dma_wait3A_711 : memref<1x4096xf32, #tpu.memory_space<any>>)
    %dma_wait3A_715 = arith.constant 0 : i32
    %dma_wait3A_716 = tpu.memref_slice %arg3[%get3A_377, %dma_wait3A_715] : memref<16384x4096xf32, #tpu.memory_space<any>> -> memref<1x4096xf32, #tpu.memory_space<any>>
    %dma_wait3A_717 = arith.constant 54 : i32
    %dma_wait3A_718 = arith.constant 0 : i32
    %dma_wait3A_719 = tpu.memref_slice %arg1[%dma_wait3A_717, %dma_wait3A_718] : memref<64x4096xf32, #tpu.memory_space<vmem>> -> memref<1x4096xf32, #tpu.memory_space<vmem>>
    tpu.wait_dma2 semaphore(%arg4 : memref<!tpu.dma_semaphore, #tpu.memory_space<semaphore_mem>>) src(%dma_wait3A_719 : memref<1x4096xf32, #tpu.memory_space<vmem>>) dst(%dma_wait3A_716 : memref<1x4096xf32, #tpu.memory_space<any>>)
    %dma_wait3A_720 = arith.constant 0 : i32
    %dma_wait3A_721 = tpu.memref_slice %arg3[%get3A_384, %dma_wait3A_720] : memref<16384x4096xf32, #tpu.memory_space<any>> -> memref<1x4096xf32, #tpu.memory_space<any>>
    %dma_wait3A_722 = arith.constant 55 : i32
    %dma_wait3A_723 = arith.constant 0 : i32
    %dma_wait3A_724 = tpu.memref_slice %arg1[%dma_wait3A_722, %dma_wait3A_723] : memref<64x4096xf32, #tpu.memory_space<vmem>> -> memref<1x4096xf32, #tpu.memory_space<vmem>>
    tpu.wait_dma2 semaphore(%arg4 : memref<!tpu.dma_semaphore, #tpu.memory_space<semaphore_mem>>) src(%dma_wait3A_724 : memref<1x4096xf32, #tpu.memory_space<vmem>>) dst(%dma_wait3A_721 : memref<1x4096xf32, #tpu.memory_space<any>>)
    %dma_wait3A_725 = arith.constant 0 : i32
    %dma_wait3A_726 = tpu.memref_slice %arg3[%get3A_391, %dma_wait3A_725] : memref<16384x4096xf32, #tpu.memory_space<any>> -> memref<1x4096xf32, #tpu.memory_space<any>>
    %dma_wait3A_727 = arith.constant 56 : i32
    %dma_wait3A_728 = arith.constant 0 : i32
    %dma_wait3A_729 = tpu.memref_slice %arg1[%dma_wait3A_727, %dma_wait3A_728] : memref<64x4096xf32, #tpu.memory_space<vmem>> -> memref<1x4096xf32, #tpu.memory_space<vmem>>
    tpu.wait_dma2 semaphore(%arg4 : memref<!tpu.dma_semaphore, #tpu.memory_space<semaphore_mem>>) src(%dma_wait3A_729 : memref<1x4096xf32, #tpu.memory_space<vmem>>) dst(%dma_wait3A_726 : memref<1x4096xf32, #tpu.memory_space<any>>)
    %dma_wait3A_730 = arith.constant 0 : i32
    %dma_wait3A_731 = tpu.memref_slice %arg3[%get3A_398, %dma_wait3A_730] : memref<16384x4096xf32, #tpu.memory_space<any>> -> memref<1x4096xf32, #tpu.memory_space<any>>
    %dma_wait3A_732 = arith.constant 57 : i32
    %dma_wait3A_733 = arith.constant 0 : i32
    %dma_wait3A_734 = tpu.memref_slice %arg1[%dma_wait3A_732, %dma_wait3A_733] : memref<64x4096xf32, #tpu.memory_space<vmem>> -> memref<1x4096xf32, #tpu.memory_space<vmem>>
    tpu.wait_dma2 semaphore(%arg4 : memref<!tpu.dma_semaphore, #tpu.memory_space<semaphore_mem>>) src(%dma_wait3A_734 : memref<1x4096xf32, #tpu.memory_space<vmem>>) dst(%dma_wait3A_731 : memref<1x4096xf32, #tpu.memory_space<any>>)
    %dma_wait3A_735 = arith.constant 0 : i32
    %dma_wait3A_736 = tpu.memref_slice %arg3[%get3A_405, %dma_wait3A_735] : memref<16384x4096xf32, #tpu.memory_space<any>> -> memref<1x4096xf32, #tpu.memory_space<any>>
    %dma_wait3A_737 = arith.constant 58 : i32
    %dma_wait3A_738 = arith.constant 0 : i32
    %dma_wait3A_739 = tpu.memref_slice %arg1[%dma_wait3A_737, %dma_wait3A_738] : memref<64x4096xf32, #tpu.memory_space<vmem>> -> memref<1x4096xf32, #tpu.memory_space<vmem>>
    tpu.wait_dma2 semaphore(%arg4 : memref<!tpu.dma_semaphore, #tpu.memory_space<semaphore_mem>>) src(%dma_wait3A_739 : memref<1x4096xf32, #tpu.memory_space<vmem>>) dst(%dma_wait3A_736 : memref<1x4096xf32, #tpu.memory_space<any>>)
    %dma_wait3A_740 = arith.constant 0 : i32
    %dma_wait3A_741 = tpu.memref_slice %arg3[%get3A_412, %dma_wait3A_740] : memref<16384x4096xf32, #tpu.memory_space<any>> -> memref<1x4096xf32, #tpu.memory_space<any>>
    %dma_wait3A_742 = arith.constant 59 : i32
    %dma_wait3A_743 = arith.constant 0 : i32
    %dma_wait3A_744 = tpu.memref_slice %arg1[%dma_wait3A_742, %dma_wait3A_743] : memref<64x4096xf32, #tpu.memory_space<vmem>> -> memref<1x4096xf32, #tpu.memory_space<vmem>>
    tpu.wait_dma2 semaphore(%arg4 : memref<!tpu.dma_semaphore, #tpu.memory_space<semaphore_mem>>) src(%dma_wait3A_744 : memref<1x4096xf32, #tpu.memory_space<vmem>>) dst(%dma_wait3A_741 : memref<1x4096xf32, #tpu.memory_space<any>>)
    %dma_wait3A_745 = arith.constant 0 : i32
    %dma_wait3A_746 = tpu.memref_slice %arg3[%get3A_419, %dma_wait3A_745] : memref<16384x4096xf32, #tpu.memory_space<any>> -> memref<1x4096xf32, #tpu.memory_space<any>>
    %dma_wait3A_747 = arith.constant 60 : i32
    %dma_wait3A_748 = arith.constant 0 : i32
    %dma_wait3A_749 = tpu.memref_slice %arg1[%dma_wait3A_747, %dma_wait3A_748] : memref<64x4096xf32, #tpu.memory_space<vmem>> -> memref<1x4096xf32, #tpu.memory_space<vmem>>
    tpu.wait_dma2 semaphore(%arg4 : memref<!tpu.dma_semaphore, #tpu.memory_space<semaphore_mem>>) src(%dma_wait3A_749 : memref<1x4096xf32, #tpu.memory_space<vmem>>) dst(%dma_wait3A_746 : memref<1x4096xf32, #tpu.memory_space<any>>)
    %dma_wait3A_750 = arith.constant 0 : i32
    %dma_wait3A_751 = tpu.memref_slice %arg3[%get3A_426, %dma_wait3A_750] : memref<16384x4096xf32, #tpu.memory_space<any>> -> memref<1x4096xf32, #tpu.memory_space<any>>
    %dma_wait3A_752 = arith.constant 61 : i32
    %dma_wait3A_753 = arith.constant 0 : i32
    %dma_wait3A_754 = tpu.memref_slice %arg1[%dma_wait3A_752, %dma_wait3A_753] : memref<64x4096xf32, #tpu.memory_space<vmem>> -> memref<1x4096xf32, #tpu.memory_space<vmem>>
    tpu.wait_dma2 semaphore(%arg4 : memref<!tpu.dma_semaphore, #tpu.memory_space<semaphore_mem>>) src(%dma_wait3A_754 : memref<1x4096xf32, #tpu.memory_space<vmem>>) dst(%dma_wait3A_751 : memref<1x4096xf32, #tpu.memory_space<any>>)
    %dma_wait3A_755 = arith.constant 0 : i32
    %dma_wait3A_756 = tpu.memref_slice %arg3[%get3A_433, %dma_wait3A_755] : memref<16384x4096xf32, #tpu.memory_space<any>> -> memref<1x4096xf32, #tpu.memory_space<any>>
    %dma_wait3A_757 = arith.constant 62 : i32
    %dma_wait3A_758 = arith.constant 0 : i32
    %dma_wait3A_759 = tpu.memref_slice %arg1[%dma_wait3A_757, %dma_wait3A_758] : memref<64x4096xf32, #tpu.memory_space<vmem>> -> memref<1x4096xf32, #tpu.memory_space<vmem>>
    tpu.wait_dma2 semaphore(%arg4 : memref<!tpu.dma_semaphore, #tpu.memory_space<semaphore_mem>>) src(%dma_wait3A_759 : memref<1x4096xf32, #tpu.memory_space<vmem>>) dst(%dma_wait3A_756 : memref<1x4096xf32, #tpu.memory_space<any>>)
    %dma_wait3A_760 = arith.constant 0 : i32
    %dma_wait3A_761 = tpu.memref_slice %arg3[%get3A_440, %dma_wait3A_760] : memref<16384x4096xf32, #tpu.memory_space<any>> -> memref<1x4096xf32, #tpu.memory_space<any>>
    %dma_wait3A_762 = arith.constant 63 : i32
    %dma_wait3A_763 = arith.constant 0 : i32
    %dma_wait3A_764 = tpu.memref_slice %arg1[%dma_wait3A_762, %dma_wait3A_763] : memref<64x4096xf32, #tpu.memory_space<vmem>> -> memref<1x4096xf32, #tpu.memory_space<vmem>>
    tpu.wait_dma2 semaphore(%arg4 : memref<!tpu.dma_semaphore, #tpu.memory_space<semaphore_mem>>) src(%dma_wait3A_764 : memref<1x4096xf32, #tpu.memory_space<vmem>>) dst(%dma_wait3A_761 : memref<1x4096xf32, #tpu.memory_space<any>>)
    return
  }
}

</mosaic_0001>

<sc_bundles>
// kernel: kernel.6.cloned.1.call-start
scs
__scs_entry_jumppad:
0x0: {  	(pc) =	sbr.rel $0x88, $3  }
0x1: {  	(tag) =	ssettag $0x0;
	lr =	simm.s32 $0x1  }
0x2: {  	[smem:$0x3F9E] =	sst lr;
	_ =	strace $0xD0000000  }
0x3: {  	_ = 	snop  }
0x4: {  	_ = 	snop  }
0x5: {  	_ = 	snop  }
0x6: {  	_ = 	snop  }
0x7: {  	_ = 	snop  }
__scs_overlays_trampoline_lowered:
0x8: {  	[smem:$0x3FAD] =	sst s0  }
0x9: {  	[smem:$0x3FAE] =	sst s1  }
0xa: {  	[smem:$0x3FAF] =	sst s2  }
0xb: {  	[smem:$0x3FB0] =	sst s3  }
0xc: {  	[smem:$0x3FB1] =	sst s4  }
0xd: {  	[smem:$0x3FB2] =	sst s5  }
0xe: {  	[smem:$0x3FB3] =	sst s6  }
0xf: {  	[smem:$0x3FB4] =	sst s7  }
0x10: {  	[smem:$0x3FB5] =	sst s8  }
0x11: {  	[smem:$0x3FB6] =	sst s9;
	s0 =	simm.s32 @!p0 $0x0  }
0x12: {  	s1 =	sld [smem:$0x3F9C];
	s0 =	simm.s32 @p0 $0x1  }
0x13: {  	[smem:$0x3FB7] =	sst s0;
	s0 =	simm.s32 @!p1 $0x0  }
0x14: {  	s2 =	sld [smem:$0x3F9B];
	s0 =	simm.s32 @p1 $0x1  }
0x15: {  	[smem:$0x3FB8] =	sst s0;
	s0 =	simm.s32 @!p2 $0x0  }
0x16: {  	s3 =	sld [smem:$0x3FDB];
	s0 =	simm.s32 @p2 $0x1  }
0x17: {  	s4 =	simm.s32 $0x1BF5;
	[smem:$0x3FBA] =	sst s0  }
0x18: {  	s0 =	sld [smem:$0x3F9D];
	_ =	swait.ge [sflag:s4], $0x0  }
0x19: {  	s7 =	sld [smem:$0x3F9E]  }
0x1a: {  	s8 =	sadd.s32 $0xFFFFE003, lr  }
0x1b: {  	s9 =	sadd.s32 $0xFFFFFEF7, lr;
	s5 =	simm.s32 $0xFFFFFFFF;
	p2 =	slt.u32 s8, $0xFFFFF086  }
0x1c: {  	p1 =	slt.u32 s9, $0xF7A;
	s5 =	simm.s32 @!p2 $0x0  }
0x1d: {  	s5 =	simm.s32 @p1 $0x1;
	p0 =	seq.s32 s7, s2  }
0x1e: {  	s7 =	smul.u32 @!p0 $0xF7A, s2;
	p2 =	seq.s32 @!p0 s5, $0x0  }
0x1f: {  	s9 =	smul.u32 $0xF7A, s1;
	s8 =	simm.s32 @!p0 $0x1BF5;
	p2 =	por !p2, p0  }
0x20: {  	[sflag:s8] =	ssyncset.s32 @!p0 $0xFFFFF086;
	s6 =	sadd.s32 @!p0 s3, s7;
	s7 =	simm.s32 @!p0 $0x108  }
0x21: {  	s3 =	sadd.s32 s3, s9;
	s6 =	sadd.s32 @!p0 $0x88, s6;
	s7 =	simm.s32 @p2 $0x1082  }
0x22: {  	[simem:s7], [sflag:s8] =	dma.local @!p0 [hbm:s6], $0xF7A  }
0x23: {  	s9 =	sor.u32 $0xD0000000, s2;
	s6 =	simm.s32 $0x108;
	_ =	swait.ge @!p0 [sflag:s8], $0x0  }
0x24: {  	s3 =	sadd.s32 $0x88, s3;
	s6 =	simm.s32 @!p1 $0x1082;
	[sflag:s4] =	ssyncset.s32 $0xFFFFF086  }
0x25: {  	[simem:s6], [sflag:s4] =	dma.local [hbm:s3], $0xF7A  }
0x26: {  	[smem:$0x3F9E] =	sst s1;
	(tag) =	ssettag s2;
	_ =	strace s9  }
0x27: {  	s1 =	sld [smem:$0x3FAE]  }
0x28: {  	s2 =	sld [smem:$0x3FAF]  }
0x29: {  	s4 =	sld [smem:$0x3FB1]  }
0x2a: {  	p0 =	seq.s32 s5, $0x0;
	s5 =	sld [smem:$0x3FB2]  }
0x2b: {  	s6 =	sld [smem:$0x3FB3]  }
0x2c: {  	s7 =	sld [smem:$0x3FB4]  }
0x2d: {  	s3 =	simm.s32 $0x108;
	s8 =	sld [smem:$0x3FB5]  }
0x2e: {  	s3 =	simm.s32 @!p0 $0x1082;
	s9 =	sld [smem:$0x3FB6]  }
0x2f: {  	lr =	sadd.s32 s0, s3;
	s0 =	sld [smem:$0x3FAD]  }
0x30: {  	s3 =	sld [smem:$0x3FB0]  }
0x31: {  	[smem:$0x3FB9] =	sst s10  }
0x32: {  	s10 =	sld [smem:$0x3FB7];
	_ =	sdelay $0x3  }
0x33: {  	p0 =	seq.s32 s10, $0x1;
	s10 =	sld [smem:$0x3FB9];
	_ =	sdelay $0x3  }
0x34: {  	[smem:$0x3FB9] =	sst s10  }
0x35: {  	s10 =	sld [smem:$0x3FB8];
	_ =	sdelay $0x3  }
0x36: {  	p1 =	seq.s32 s10, $0x1;
	s10 =	sld [smem:$0x3FB9];
	_ =	sdelay $0x3  }
0x37: {  	[smem:$0x3FB9] =	sst s10  }
0x38: {  	s10 =	sld [smem:$0x3FBA]  }
0x39: {  	_ = 	snop;
	(pc) =	sbr.ind lr, $3  }
0x3a: {  	_ = 	snop  }
0x3b: {  	_ = 	snop  }
0x3c: {  	p2 =	seq.s32 s10, $0x1;
	s10 =	sld [smem:$0x3FB9]  }
0x3d: {  	_ =	shalt  }
0x3e: {  	_ =	shalt  }
0x3f: {  	_ =	shalt  }
0x40: {  	_ =	shalt  }
0x41: {  	_ =	shalt  }
0x42: {  	_ =	shalt  }
0x43: {  	_ =	shalt  }
0x44: {  	_ =	shalt  }
0x45: {  	_ =	shalt  }
0x46: {  	_ =	shalt  }
0x47: {  	_ =	shalt  }
0x48: {  	_ =	shalt  }
0x49: {  	_ =	shalt  }
0x4a: {  	_ =	shalt  }
0x4b: {  	_ =	shalt  }
0x4c: {  	_ =	shalt  }
0x4d: {  	_ =	shalt  }
0x4e: {  	_ =	shalt  }
0x4f: {  	_ =	shalt  }
0x50: {  	_ =	shalt  }
0x51: {  	_ =	shalt  }
0x52: {  	_ =	shalt  }
0x53: {  	_ =	shalt  }
0x54: {  	_ =	shalt  }
0x55: {  	_ =	shalt  }
0x56: {  	_ =	shalt  }
0x57: {  	_ =	shalt  }
0x58: {  	_ =	shalt  }
0x59: {  	_ =	shalt  }
0x5a: {  	_ =	shalt  }
0x5b: {  	_ =	shalt  }
0x5c: {  	_ =	shalt  }
0x5d: {  	_ =	shalt  }
0x5e: {  	_ =	shalt  }
0x5f: {  	_ =	shalt  }
0x60: {  	_ =	shalt  }
0x61: {  	_ =	shalt  }
0x62: {  	_ =	shalt  }
0x63: {  	_ =	shalt  }
0x64: {  	_ =	shalt  }
0x65: {  	_ =	shalt  }
0x66: {  	_ =	shalt  }
0x67: {  	_ =	shalt  }
0x68: {  	_ =	shalt  }
0x69: {  	_ =	shalt  }
0x6a: {  	_ =	shalt  }
0x6b: {  	_ =	shalt  }
0x6c: {  	_ =	shalt  }
0x6d: {  	_ =	shalt  }
0x6e: {  	_ =	shalt  }
0x6f: {  	_ =	shalt  }
0x70: {  	_ =	shalt  }
0x71: {  	_ =	shalt  }
0x72: {  	_ =	shalt  }
0x73: {  	_ =	shalt  }
0x74: {  	_ =	shalt  }
0x75: {  	_ =	shalt  }
0x76: {  	_ =	shalt  }
0x77: {  	_ =	shalt  }
0x78: {  	_ =	shalt  }
0x79: {  	_ =	shalt  }
0x7a: {  	_ =	shalt  }
0x7b: {  	_ =	shalt  }
0x7c: {  	_ =	shalt  }
0x7d: {  	_ =	shalt  }
0x7e: {  	_ =	shalt  }
0x7f: {  	_ =	shalt  }
0x80: {  	_ =	shalt  }
0x81: {  	_ =	shalt  }
0x82: {  	_ =	shalt  }
0x83: {  	_ =	shalt  }
0x84: {  	_ =	shalt  }
0x85: {  	_ =	shalt  }
0x86: {  	_ =	shalt  }
0x87: {  	_ =	shalt  }
.Lfunc_end0:
.L_simem_size_0:
called_computation_lowered:
.L_overlay_start_0:
0x88: {  	s2 =	sld [smem:$0x3FD9]  }
0x89: {  	s3 =	sld [smem:$0x3FFE];
	_ =	sdelay $0x1  }
0x8a: {  	s1 =	srdreg.scid  }
0x8b: {  	s0 =	sand.u32 $0x1, s1  }
0x8c: {  	s17 =	sshll.u32 s0, $0xA;
	s2 =	sadd.s32 s3, s2  }
0x8d: {  	s2 =	sadd.s32 s2, s17  }
0x8e: {  	[smem:$0x3FC5] =	sst s2  }
0x8f: {  	_ = 	snop  }
0x90: {  	s2 =	sld [smem:$0x3FC9]  }
0x91: {  	s18 =	sld [smem:$0x3FC8];
	(tm) =	ssettm $0x1  }
0x92: {  	s4 =	sld [smem:$0x3FFB];
	_ =	sdelay $0x3  }
0x93: {  	_ =	strace s4  }
0x94: {  	s4 =	sld [smem:$0x3FFC];
	_ =	sdelay $0x3  }
0x95: {  	_ =	strace s4  }
0x96: {  	s4 =	sld [smem:$0x3FFD];
	_ =	sdelay $0x3  }
0x97: {  	_ =	strace s4  }
0x98: {  	_ =	strace $0x8FFFFFFF  }
0x99: {  	s19 =	sld [smem:$0x3FDB];
	_ =	sdelay $0x1  }
0x9a: {  	s5 =	simm.s32 $_scs_section_size  }
0x9b: {  	s6 =	simm.s32 $_size__tile_overlayer_lowered;
	s7 =	simm.s32 $_tile_overlayer_lowered  }
0x9c: {  	s22 =	simm.s32 $0x1BFF;
	s21 =	sshll.u32 s7, $0x1;
	s4 =	sadd.s32 s5, s19  }
0x9d: {  	s8 =	simm.s32 $0x0;
	s20 =	sshll.u32 s6, $0x1;
	s6 =	sadd.s32 s21, s4  }
0x9e: {  	[timem:s8], [sflag:s22] =	dma.local [hbm:s6], s20  }
0x9f: {  	_ =	swait.ge [sflag:s22], s20  }
0xa0: {  	s5 =	ssub.s32 $0x0, s20;
	[sflag:s22] =	ssyncset.done $0x0  }
0xa1: {  	[sflag:s22] =	ssyncadd.s32 s5;
	_ =	sdelay $0x1  }
0xa2: {  	s23 =	simm.s32 $0x1B8B  }
0xa3: {  	_ =	swait.ge [sflag:s23], $0x1  }
0xa4: {  	[sflag:s23] =	ssyncset.done $0x0  }
0xa5: {  	s25 =	simm.s32 $0x1B8E;
	s24 =	sld [smem:$0x3FFE];
	[sflag:s23] =	ssyncadd.s32 $0xFFFFFFFF  }
0xa6: {  	s26 =	simm.s32 $execute0_lowered;
	[smem:$0x3FD2] =	sst s25  }
0xa7: {  	s6 =	sshll.u32 s26, $0x1;
	_ =	strace $0x80000046;
	[dreg:$0x1] =	wrdreg $0xFFFFFFFF  }
0xa8: {  	s28 =	simm.s32 $_size_execute0_lowered;
	s4 =	sadd.s32 s4, s6;
	[dreg:$0x0] =	wrdreg $0x0  }
0xa9: {  	s6 =	sshll.u32 s28, $0x1;
	[dreg:$0x2] =	wrdreg s4  }
0xaa: {  	[dreg:$0x3] =	wrdreg s6  }
0xab: {  	[dreg:$0x4] =	wrdreg $0xC0  }
0xac: {  	_ =	task [dreg:s8], $0x5FFFF  }
0xad: {  	[dreg:$0x1] =	wrdreg $0xFFFFFFFF  }
0xae: {  	[dreg:$0x0] =	wrdreg $0x60  }
0xaf: {  	[dreg:$0x2] =	wrdreg s2  }
0xb0: {  	[dreg:$0x3] =	wrdreg s18  }
0xb1: {  	[dreg:$0x4] =	wrdreg s24  }
0xb2: {  	[dreg:$0x5] =	wrdreg $0x9  }
0xb3: {  	_ =	task.clear_ibuf [dreg:s8], $0x6FFFF;
	_ =	strace $0x90000046  }
0xb4: {  	s29 =	simm.s32 $0x9;
	_ =	strace $0x80000048  }
0xb5: {  	_ =	swait.ge [sflag:s29], $0x1  }
0xb6: {  	[sflag:s29] =	ssyncadd.s32 $0xFFFFFFFF  }
0xb7: {  	_ =	strace $0x90000048  }
0xb8: {  	_ =	sfence  }
0xb9: {  	s30 =	sld [smem:$0x0];
	_ =	sdelay $0x2  }
0xba: {  	s31 =	sshll.u32 s1, $0xD;
	s1 =	sshrl.u32 s1, $0x2  }
0xbb: {  	s3 =	sand.u32 $0x4000, s31;
	s1 =	sadd.s32 s1, s30  }
0xbc: {  	s0 =	sor.u32 s3, s0;
	s1 =	sshll.u32 s1, $0x11  }
0xbd: {  	s0 =	sor.u32 s1, s0  }
0xbe: {  	s0 =	sadd.s32 $0x8F2B, s0  }
0xbf: {  	[sflag:s0] =	ssyncadd.remote.s32 $0x1  }
0xc0: {  	_ =	sfence.sel $0xFFFF  }
0xc1: {  	[dreg:$0x0] =	wrdreg $0xFFFFFFFF;
	(pc) =	sbr.abs _section_cstart, $3  }
0xc2: {  	[dreg:$0x1] =	wrdreg $0xFFFFFFFF  }
0xc3: {  	_ =	task.clear_ibuf [dreg:s8], $0x2FFFF;
	_ =	strace $0x9FFFFFFF  }
0xc4: {  	(tm) =	ssettm $0x7FFFFFFF  }
0xc5: {  	_ =	shalt  }
tec
execute0_lowered:
.L_overlay_start_1:
0x0: {  	(tag) =	ssettag $0x1  }
0x1: {  	s1 =	rddreg [dreg:$0x0]  }
0x2: {  	s2 =	rddreg [dreg:$0x1]  }
0x3: {  	s6 =	rddreg [dreg:$0x2]  }
0x4: {  	s0 =	rddreg [dreg:$0x3]  }
0x5: {  	s5 =	srdreg.scid;
	s4 =	simm.s32 $0x0;
	s3 =	stileid.u32  }
0x6: {  	s7 =	sand.u32 $0x1, s5;
	[smem:$0x7FF] =	sst s4;
	s22 =	sshll.u32 s3, $0x2  }
0x7: {  	s5 =	sadd.s32 $0xA00, s6;
	s9 =	sadd.s32 $0xC00, s6;
	s8 =	sshll.u32 s7, $0x1  }
0x8: {  	s10 =	sshll.u32 s3, $0xE;
	s24 =	ssub.s32 $0x2, s7;
	s8 =	sor.u32 s8, s22  }
0x9: {  	v1 =	vlaneseq.u32;
	_ =	strace $0x80000047;
	s26 =	sshrl.u32 s24, $0x1;
	s23 =	sor.u32 $0x1, s8  }
0xa: {  	v3 =	vor.u32 $0x30, v1;
	s11 =	sshll.u32 s8, $0x7;
	s29 =	ssub.s32 s24, s26;
	s12 =	sshll.u32 s23, $0x7  }
0xb: {  	v4 =	vor.u32 $0x20, v1;
	v5 =	vor.u32 $0x10, v1;
	v2 =	vmov s8;
	s25 =	sor.u32 s10, s11;
	s8 =	smax.u32 s29, $0x1;
	s10 =	sor.u32 s10, s12  }
0xc: {  	v0 =	vmov s23;
	vm0 =	veq.s32 v2, v3;
	vm1 =	veq.s32 v2, v4;
	s11 =	simm.s32 $0x0;
	s7 =	sand.u32 $0x38300, s25;
	s28 =	sand.u32 $0x38380, s10  }
0xd: {  	vm2 =	veq.s32 v2, v5;
	vm3 =	veq.s32 v2, v1;
	vm4 =	veq.s32 v0, v3;
	s30 =	sshrl.u32 s7, $0x3;
	s10 =	simm.s32 $0x80;
	s31 =	sshrl.u32 s28, $0x3  }
0xe: {  	vm5 =	veq.s32 v0, v4;
	vm6 =	veq.s32 v0, v5;
	vm7 =	veq.s32 v0, v1;
	s6 =	sadd.s32 s9, s30;
	s7 =	sadd.s32 s9, s31;
	s9 =	simm.s32 $0x1  }
.LBB2_1:
0xf: {  	[tilespmem:s4], [sflag:$0x1] =	stream.linear.gather [hbm4b:s2+s4], $0x80, $0x38;
	[tilespmem:$0x3080] =	vst v63  }
0x10: {  	_ =	swait.ge [sflag:s9], $0x80  }
0x11: {  	[sflag:s9] =	ssyncset.done $0x0  }
0x12: {  	[sflag:s9] =	ssyncadd.s32 $0xFFFFFF80  }
0x13: {  	[tilespmem:s10], [sflag:$0x1] =	stream.linear.gather [hbm4b:s5+s4], $0x1000, $0x38;
	[tilespmem:$0x3080] =	vst v63  }
0x14: {  	_ =	swait.ge [sflag:s9], $0x1000  }
0x15: {  	[sflag:s9] =	ssyncset.done $0x0  }
0x16: {  	[sflag:s9] =	ssyncadd.s32 $0xFFFFF000  }
0x17: {  	v0 =	vld [tilespmem:$0x0]  }
0x18: {  	v1 =	vld [tilespmem:$0x10];
	_ =	sdelay $0x1  }
0x19: {  	v2 =	vld [tilespmem:$0x20]  }
0x1a: {  	v3 =	vld [tilespmem:$0x30]  }
0x1b: {  	v0 =	vxor.u32 $0x80000000, v0  }
0x1c: {  	v1 =	vxor.u32 $0x80000000, v1;
	v4 =	vnsel vm3, $0x7FFFFFFF, v0  }
0x1d: {  	(xrf0) =	vmax.scan.msk.u32 $0xffff, v4;
	v4 =	vnsel vm2, $0x7FFFFFFF, v1  }
0x1e: {  	v2 =	vxor.u32 $0x80000000, v2;
	(xrf0) =	vmax.scan.msk.u32 $0xffff, v4  }
0x1f: {  	v3 =	vxor.u32 $0x80000000, v3;
	v4 =	vnsel vm1, $0x7FFFFFFF, v2  }
0x20: {  	(xrf0) =	vmax.scan.msk.u32 $0xffff, v4;
	v4 =	vnsel vm0, $0x7FFFFFFF, v3;
	_ =	sdelay $0x1  }
0x21: {  	(xrf0) =	vmax.scan.msk.u32 $0xffff, v4  }
0x22: {  	v4, _, _ =	vpop (xrf0)  }
0x23: {  	v5, _, _ =	vpop (xrf0);
	(v2sf) =	vpush v4, $0xF  }
0x24: {  	(v2sf) =	vpush v5, $0xF  }
0x25: {  	v4, _, _ =	vpop (xrf0)  }
0x26: {  	(v2sf) =	vpush v4, $0xF  }
0x27: {  	v4, _, _ =	vpop (xrf0)  }
0x28: {  	(v2sf) =	vpush v4, $0xF;
	_ =	sdelay $0x9  }
0x29: {  	s12 =	spop (v2sf)  }
0x2a: {  	s13 =	spop (v2sf)  }
0x2b: {  	s12 =	sxor.u32 $0x80000000, s12;
	s13 =	sxor.u32 $0x80000000, s13  }
0x2c: {  	s14 =	spop (v2sf);
	p0 =	sgt.s32 s12, s13  }
0x2d: {  	s13 =	smov.u32 @p0 s12;
	s12 =	sxor.u32 $0x80000000, s14  }
0x2e: {  	s31 =	spop (v2sf);
	p0 =	sgt.s32 s13, s12  }
0x2f: {  	s12 =	smov.u32 @p0 s13;
	s13 =	sxor.u32 $0x80000000, s31  }
0x30: {  	p0 =	sgt.s32 s12, s13  }
0x31: {  	s13 =	smov.u32 @p0 s12  }
0x32: {  	s12 =	sshra.s32 s13, $0x1F  }
0x33: {  	s12 =	sor.u32 s12, s13  }
0x34: {  	s13 =	sshll.u32 s12, $0xC;
	s12 =	sshll.u32 s12, $0x7  }
0x35: {  	s13 =	sand.u32 $0xFFFF8000, s13;
	s12 =	sand.u32 $0x380, s12  }
0x36: {  	s12 =	sor.u32 s12, s13  }
0x37: {  	s12 =	sshrl.u32 s12, $0x3  }
0x38: {  	s15 =	simm.s32 $0x80;
	s14 =	sadd.s32 s1, s12  }
0x39: {  	s16 =	simm.s32 $0x1180;
	s12 =	simm.s32 $0x1080;
	s13 =	sadd.s32 $0x0, s14  }
.LBB2_2:
0x3a: {  	[tilespmem:s12], [sflag:$0x1] =	stream.linear.gather [hbm4b:s13+s4], $0x80, $0x38;
	[tilespmem:$0x3080] =	vst v63  }
0x3b: {  	s13 =	smov.u32 s15;
	s12 =	smov.u32 s16;
	p0 =	sne.s32 s15, $0xF80  }
.Ltmp0:
0x3c: {  	s15 =	sadd.s32 $0x80, s15;
	(pc) =	sbr.rel @p0 .LBB2_2-.Ltmp0, $2  }
0x3d: {  	_ =	sdelay $0x2  }
0x3e: {  	s16 =	sadd.s32 $0x100, s16;
	s13 =	sadd.s32 s13, s14  }
0x3f: {  	v0 =	vnsel vm7, $0x7FFFFFFF, v0  }
0x40: {  	(xrf0) =	vmax.scan.msk.u32 $0xffff, v0  }
0x41: {  	v57 =	vnsel vm6, $0x7FFFFFFF, v1  }
0x42: {  	(xrf0) =	vmax.scan.msk.u32 $0xffff, v57  }
0x43: {  	v58 =	vnsel vm5, $0x7FFFFFFF, v2  }
0x44: {  	(xrf0) =	vmax.scan.msk.u32 $0xffff, v58  }
0x45: {  	v59 =	vnsel vm4, $0x7FFFFFFF, v3  }
0x46: {  	v60, _, _ =	vpop (xrf0);
	(xrf0) =	vmax.scan.msk.u32 $0xffff, v59;
	_ =	sdelay $0x1  }
0x47: {  	v61, _, _ =	vpop (xrf0);
	(v2sf) =	vpush v60, $0xF  }
0x48: {  	(v2sf) =	vpush v61, $0xF  }
0x49: {  	v62, _, _ =	vpop (xrf0)  }
0x4a: {  	(v2sf) =	vpush v62, $0xF  }
0x4b: {  	v63, _, _ =	vpop (xrf0)  }
0x4c: {  	(v2sf) =	vpush v63, $0xF;
	_ =	sdelay $0x8  }
0x4d: {  	[tilespmem:s12], [sflag:$0x1] =	stream.linear.gather [hbm4b:s13+s4], $0x80, $0x38;
	[tilespmem:$0x3080] =	vst v63  }
0x4e: {  	s14 =	spop (v2sf)  }
0x4f: {  	s15 =	spop (v2sf)  }
0x50: {  	s12 =	sxor.u32 $0x80000000, s14;
	s13 =	sxor.u32 $0x80000000, s15  }
0x51: {  	s30 =	spop (v2sf);
	p0 =	sgt.s32 s12, s13  }
0x52: {  	s13 =	smov.u32 @p0 s12;
	s12 =	sxor.u32 $0x80000000, s30  }
0x53: {  	p0 =	sgt.s32 s13, s12;
	s31 =	spop (v2sf)  }
0x54: {  	s12 =	smov.u32 @p0 s13;
	s13 =	sxor.u32 $0x80000000, s31  }
0x55: {  	p0 =	sgt.s32 s12, s13  }
0x56: {  	s13 =	smov.u32 @p0 s12  }
0x57: {  	s12 =	sshra.s32 s13, $0x1F  }
0x58: {  	s12 =	sor.u32 s12, s13  }
0x59: {  	s13 =	sshll.u32 s12, $0xC;
	s12 =	sshll.u32 s12, $0x7  }
0x5a: {  	s13 =	sand.u32 $0xFFFF8000, s13;
	s12 =	sand.u32 $0x380, s12  }
0x5b: {  	s12 =	sor.u32 s12, s13  }
0x5c: {  	s14 =	simm.s32 $0x80;
	_ =	swait.ge [sflag:s9], $0x1000;
	s12 =	sshrl.u32 s12, $0x3  }
0x5d: {  	s15 =	simm.s32 $0x1200;
	[sflag:s9] =	ssyncset.done $0x0;
	s12 =	sadd.s32 s1, s12  }
0x5e: {  	[sflag:s9] =	ssyncadd.s32 $0xFFFFF000;
	s13 =	simm.s32 $0x1100;
	s16 =	sadd.s32 $0x0, s12  }
.LBB2_4:
0x5f: {  	[tilespmem:s13], [sflag:$0x1] =	stream.linear.gather [hbm4b:s16+s4], $0x80, $0x38;
	[tilespmem:$0x3080] =	vst v63  }
0x60: {  	s16 =	smov.u32 s14;
	s13 =	smov.u32 s15;
	p0 =	sne.s32 s14, $0xF80  }
.Ltmp1:
0x61: {  	s14 =	sadd.s32 $0x80, s14;
	(pc) =	sbr.rel @p0 .LBB2_4-.Ltmp1, $2  }
0x62: {  	_ =	sdelay $0x2  }
0x63: {  	s15 =	sadd.s32 $0x100, s15;
	s16 =	sadd.s32 s16, s12  }
0x64: {  	[tilespmem:s13], [sflag:$0x1] =	stream.linear.gather [hbm4b:s16+s4], $0x80, $0x38;
	[tilespmem:$0x3080] =	vst v63  }
0x65: {  	s12 =	simm.s32 $0x0;
	_ =	swait.ge [sflag:s9], $0x1000  }
0x66: {  	s30 =	sand.u32 $0x70, s12;
	s12 =	sand.u32 $0x1F00, s12;
	[sflag:s9] =	ssyncset.done $0x0  }
0x67: {  	s13 =	sor.u32 s30, s12;
	[sflag:s9] =	ssyncadd.s32 $0xFFFFF000  }
0x68: {  	s12 =	simm.s32 $0x80;
	v0 =	vld [tilespmem:s13+$0x1080]  }
0x69: {  	v1 =	vld [tilespmem:s12+$0x0];
	_ =	sdelay $0x4  }
0x6a: {  	v0 =	vadd.f32 v1, v0;
	_ =	sdelay $0x1  }
0x6b: {  	[tilespmem:s13+$0x1080] =	vst v0;
	v0 =	vld [tilespmem:s13+$0x1100]  }
0x6c: {  	v1 =	vld [tilespmem:s12+$0x0];
	_ =	sdelay $0x3  }
0x6d: {  	s15 =	simm.s32 $0x10;
	s14 =	simm.s32 $0x20  }
0x6e: {  	s15 =	sand.u32 $0x70, s15;
	s31 =	sand.u32 $0x1F00, s14;
	v0 =	vadd.f32 v1, v0  }
0x6f: {  	s16 =	sor.u32 s15, s31;
	s15 =	simm.s32 $0x20  }
.LBB2_6:
0x70: {  	p0 =	sne.s32 s15, $0xFF0;
	v1 =	vld [tilespmem:s16+$0x1080];
	[tilespmem:s13+$0x1100] =	vst v0;
	s12 =	sadd.s32 $0x10, s12;
	s13 =	smov.u32 s16  }
0x71: {  	v0 =	vld [tilespmem:s12+$0x0];
	_ =	sdelay $0x4  }
0x72: {  	v0 =	vadd.f32 v0, v1;
	_ =	sdelay $0x1  }
0x73: {  	[tilespmem:s13+$0x1080] =	vst v0;
	v0 =	vld [tilespmem:s13+$0x1100]  }
0x74: {  	v1 =	vld [tilespmem:s12+$0x0];
	_ =	sdelay $0x1  }
.Ltmp2:
0x75: {  	(pc) =	sbr.rel @p0 .LBB2_6-.Ltmp2, $4  }
0x76: {  	_ = 	snop  }
0x77: {  	s14 =	sadd.s32 $0x20, s14  }
0x78: {  	s16 =	sand.u32 $0x70, s15;
	s17 =	sand.u32 $0x1F00, s14;
	v0 =	vadd.f32 v1, v0  }
0x79: {  	s15 =	sadd.s32 $0x10, s15;
	s16 =	sor.u32 s16, s17  }
0x7a: {  	v1 =	vld [tilespmem:s16+$0x1080];
	[tilespmem:s13+$0x1100] =	vst v0;
	s12 =	sadd.s32 $0x10, s12  }
0x7b: {  	v0 =	vld [tilespmem:s12+$0x0];
	_ =	sdelay $0x4  }
0x7c: {  	v0 =	vadd.f32 v0, v1;
	_ =	sdelay $0x1  }
0x7d: {  	v62 =	vld [tilespmem:s16+$0x1100];
	[tilespmem:s16+$0x1080] =	vst v0  }
0x7e: {  	v63 =	vld [tilespmem:s12+$0x0];
	_ =	sdelay $0x4  }
0x7f: {  	v0 =	vadd.f32 v63, v62  }
0x80: {  	s13 =	simm.s32 $0x80  }
0x81: {  	s15 =	sadd.s32 $0x0, s6;
	s14 =	simm.s32 $0x1180;
	s12 =	simm.s32 $0x1080;
	[tilespmem:s16+$0x1100] =	vst v0  }
.LBB2_8:
0x82: {  	[hbm4b:s15+s4] =	stream.linear.scatter [tilespmem:s12], [sflag:$0x1], $0x80, $0x38;
	[tilespmem:$0x3080] =	vst v63  }
0x83: {  	s15 =	smov.u32 s13;
	s12 =	smov.u32 s14;
	p0 =	sne.s32 s13, $0xF80  }
.Ltmp3:
0x84: {  	s13 =	sadd.s32 $0x80, s13;
	(pc) =	sbr.rel @p0 .LBB2_8-.Ltmp3, $2  }
0x85: {  	_ =	sdelay $0x2  }
0x86: {  	s14 =	sadd.s32 $0x100, s14;
	s15 =	sadd.s32 s15, s6  }
0x87: {  	[hbm4b:s15+s4] =	stream.linear.scatter [tilespmem:s12], [sflag:$0x1], $0x80, $0x38;
	[tilespmem:$0x3080] =	vst v63  }
0x88: {  	_ =	swait.ge [sflag:s9], $0x1000  }
0x89: {  	s12 =	simm.s32 $0x1100;
	s13 =	simm.s32 $0x80;
	[sflag:s9] =	ssyncset.done $0x0  }
0x8a: {  	s15 =	sadd.s32 $0x0, s7;
	s14 =	simm.s32 $0x1200;
	[sflag:s9] =	ssyncadd.s32 $0xFFFFF000  }
.LBB2_10:
0x8b: {  	[hbm4b:s15+s4] =	stream.linear.scatter [tilespmem:s12], [sflag:$0x1], $0x80, $0x38;
	[tilespmem:$0x3080] =	vst v63  }
0x8c: {  	s15 =	smov.u32 s13;
	s12 =	smov.u32 s14;
	p0 =	sne.s32 s13, $0xF80  }
.Ltmp4:
0x8d: {  	s13 =	sadd.s32 $0x80, s13;
	(pc) =	sbr.rel @p0 .LBB2_10-.Ltmp4, $2  }
0x8e: {  	_ =	sdelay $0x2  }
0x8f: {  	s14 =	sadd.s32 $0x100, s14;
	s15 =	sadd.s32 s15, s7  }
0x90: {  	s11 =	sadd.s32 $0x1, s11  }
0x91: {  	p0 =	sne.s32 s11, s8  }
.Ltmp5:
0x92: {  	_ = 	snop;
	(pc) =	sbr.rel @p0 .LBB2_1-.Ltmp5, $4  }
0x93: {  	[hbm4b:s15+s4] =	stream.linear.scatter [tilespmem:s12], [sflag:$0x1], $0x80, $0x38;
	[tilespmem:$0x3080] =	vst v63  }
0x94: {  	_ =	swait.ge [sflag:s9], $0x1000  }
0x95: {  	[sflag:s9] =	ssyncset.done $0x0  }
0x96: {  	[sflag:s9] =	ssyncadd.s32 $0xFFFFF000  }
0x97: {  	_ =	sfence.sel $0x180000  }
0x98: {  	[bflag:$0x0] =	sbarrier.arrive $0xFFFF  }
0x99: {  	p0 =	sne.s32 s3, $0x0;
	_ =	strace $0x90000047  }
0x9a: {  	s0 =	sadd.s32 @!p0 $0x100000, s0;
	[bflag:$0x2] =	sbarrier.arrive $0xFFFF  }
0x9b: {  	[sflag:s0] =	ssyncadd.tile.s32 @!p0 $0x1;
	_ =	shalt  }
.Lfunc_end2:
_tile_overlayer_lowered:
.L_overlay_start_2:
0x9c: {  	(tag) =	ssettag $0x2  }
0x9d: {  	s0 =	rddreg [dreg:$0x0];
	s2 =	stileid.u32  }
0x9e: {  	s1 =	rddreg [dreg:$0x1];
	p0 =	sne.s32 s2, $0x0  }
0x9f: {  	s3 =	rddreg [dreg:$0x2];
	[bflag:$0x3] =	sbarrier.arrive $0xFFFF;
	s2 =	simm.s32 @!p0 $0x1C01  }
0xa0: {  	[timem:s3], [sflag:s2] =	dma.local @!p0 [hbm:s0], s1  }
0xa1: {  	s0 =	simm.s32 @!p0 $0x1  }
0xa2: {  	_ =	swait.ge @!p0 [sflag:s0], s1  }
0xa3: {  	s1 =	ssub.s32 @!p0 $0x0, s1;
	[sflag:s0] =	ssyncset.done @!p0 $0x0  }
0xa4: {  	[sflag:s0] =	ssyncadd.s32 @!p0 s1  }
0xa5: {  	[bflag:$0x3] =	sbarrier.arrive $0xFFFF  }
0xa6: {  	_ =	shalt  }

</sc_bundles>
